<compile_context>
chip_gen: v7x
topology: tpu7x:2x2x1
jax: 0.10.2.dev20260603
libtpu: 0.0.44.dev20260713+nightly
codegen_flags: <defaults>
</compile_context>

<pallas_src>
import functools

import jax
import jax.numpy as jnp
from jax import lax
from jax.experimental import pallas as pl
from jax.experimental.pallas import tpu as pltpu
from jax.experimental.pallas import tpu_sc as plsc

NC, NS = 2, 16
NW = NC * NS
CHUNK = 256
NBUF = 4


@functools.partial(jax.jit, static_argnums=(2, 3))
def _gather(weight, idx, B, D):
    b_per_w = B // NW
    n = b_per_w // CHUNK
    assert (n - NBUF) % NBUF == 0
    mesh = plsc.VectorSubcoreMesh(
        core_axis_name="c", subcore_axis_name="s", num_cores=NC, num_subcores=NS
    )

    @functools.partial(
        pl.kernel,
        mesh=mesh,
        out_type=jax.ShapeDtypeStruct((B, D), jnp.float32),
        scratch_types=[
            pltpu.VMEM((b_per_w,), jnp.int32),
            pltpu.VMEM((NBUF, CHUNK, D), jnp.float32),
        ]
        + [pltpu.SemaphoreType.DMA] * (2 * NBUF),
        compiler_params=pltpu.CompilerParams(use_tc_tiling_on_sc=False),
    )
    def k(table_hbm, idx_hbm, out_hbm, idx_all, rows, *sems):
        gsem, wsem = sems[:NBUF], sems[NBUF:]
        wid = lax.axis_index("s") * NC + lax.axis_index("c")
        base = pl.multiple_of(wid * b_per_w, b_per_w)
        pltpu.sync_copy(idx_hbm.at[pl.ds(base, b_per_w)], idx_all)

        def start_gather(t, b):
            pltpu.async_copy(
                table_hbm.at[idx_all.at[pl.ds(t * CHUNK, CHUNK)]],
                rows.at[b],
                gsem[b],
            )

        def finish_chunk(i, b):
            pltpu.make_async_copy(
                table_hbm.at[idx_all.at[pl.ds(0, CHUNK)]], rows.at[b], gsem[b]
            ).wait()
            pltpu.async_copy(
                rows.at[b],
                out_hbm.at[pl.ds(base + i * CHUNK, CHUNK)],
                wsem[b],
            )

        def wait_write(b):
            pltpu.make_async_copy(
                rows.at[b], out_hbm.at[pl.ds(base, CHUNK)], wsem[b]
            ).wait()

        for t in range(NBUF - 1):
            start_gather(t, t)
        finish_chunk(0, 0)
        start_gather(NBUF - 1, NBUF - 1)

        def body(g, carry):
            for jj in range(NBUF):
                i = 1 + g * NBUF + jj
                b = (1 + jj) % NBUF
                finish_chunk(i, b)
                wait_write(jj)
                start_gather(i + NBUF - 1, jj)
            return carry

        lax.fori_loop(0, (n - NBUF) // NBUF, body, 0)

        for jj in range(NBUF - 1):
            i = n - NBUF + 1 + jj
            finish_chunk(i, (1 + jj) % NBUF)
        for b in range(NBUF):
            wait_write(b)

    return k(weight, idx)


def kernel(tokens, weight):
    S, T = tokens.shape
    V, D = weight.shape
    idx = tokens.reshape(S * T).astype(jnp.int32)
    out = _gather(weight, idx, S * T, D)
    return out.reshape(S, T, D)

# --- scband reference (transcript-rebuilt; emitter-appended) ---
"""Pipeline reference for scband-embedding-36490042147347 (READ-ONLY COPY).

The authoritative reference and input builder live on the scoring server;
editing this copy changes nothing except your own understanding.
"""

import jax, jax.numpy as jnp
import numpy as np

NUM_EMBEDDINGS = 1000000
EMBEDDING_DIM = 64

def setup_inputs(seed: int = 0) -> dict:
    key = jax.random.key(seed)
    k_tok, k_w = jax.random.split(key)
    tokens = jax.random.randint(k_tok, (4096, 200), 0, NUM_EMBEDDINGS, dtype=jnp.int64 if jax.config.jax_enable_x64 else jnp.int32)
    # xavier_uniform init for weight (num_embeddings, embedding_dim)
    fan_in, fan_out = NUM_EMBEDDINGS, EMBEDDING_DIM
    bound = float(np.sqrt(6.0 / (fan_in + fan_out)))
    weight = jax.random.uniform(k_w, (NUM_EMBEDDINGS, EMBEDDING_DIM), dtype=jnp.float32, minval=-bound, maxval=bound)
    return {"tokens": tokens, "weight": weight}

def reference(tokens, weight):
    # combine_initial_dims: tokens is 2-d, so it's returned as-is
    original_size = tokens.shape
    if tokens.ndim <= 2:
        flat_tokens = tokens
    else:
        flat_tokens = tokens.reshape(-1, tokens.shape[-1])
    # embedding lookup (no padding_index, max_norm=None, no projection)
    embedded = jnp.take(weight, flat_tokens, axis=0)
    # uncombine_initial_dims: 2-d original, returned as-is
    if len(original_size) <= 2:
        out = embedded
    else:
        out = embedded.reshape(*original_size, embedded.shape[-1])
    return out

if __name__ == "__main__":
    import jax
    _d = setup_inputs()
    print(jax.jit(kernel)(*tuple(_d.values())))

</pallas_src>

<mosaic_0001>
#map = affine_map<(d0, d1) -> (0, 0)>
#map1 = affine_map<(d0, d1) -> (0)>
module attributes {stable_mosaic.version = 14 : i64} {
  func.func @k(%arg0: i32, %arg1: i32, %arg2: memref<1000000x64xf32, #tpu.memory_space<hbm>>, %arg3: memref<819200xi32, #tpu.memory_space<hbm>>, %arg4: memref<819200x64xf32, #tpu.memory_space<hbm>>, %arg5: memref<25600xi32, #tpu.memory_space<vmem>>, %arg6: memref<4x256x64xf32, #tpu.memory_space<vmem>>, %arg7: memref<!tpu.dma_semaphore, #tpu.memory_space<semaphore_mem>>, %arg8: memref<!tpu.dma_semaphore, #tpu.memory_space<semaphore_mem>>, %arg9: memref<!tpu.dma_semaphore, #tpu.memory_space<semaphore_mem>>, %arg10: memref<!tpu.dma_semaphore, #tpu.memory_space<semaphore_mem>>, %arg11: memref<!tpu.dma_semaphore, #tpu.memory_space<semaphore_mem>>, %arg12: memref<!tpu.dma_semaphore, #tpu.memory_space<semaphore_mem>>, %arg13: memref<!tpu.dma_semaphore, #tpu.memory_space<semaphore_mem>>, %arg14: memref<!tpu.dma_semaphore, #tpu.memory_space<semaphore_mem>>) attributes {dimension_semantics = [#tpu.dimension_semantics<core_parallel>, #tpu.dimension_semantics<subcore_parallel>], iteration_bounds = array<i64: 2, 16>, scalar_prefetch = 0 : i64, scratch_operands = 10 : i64, tpu.core_type = #tpu.core_type<sc_vector_subcore>, window_params = [{transform_indices = #map}, {transform_indices = #map1}, {transform_indices = #map}]} {
    %mul3A = arith.constant 2 : i32
    %mul3A_0 = arith.muli %arg1, %mul3A : i32
    %add3A = arith.addi %mul3A_0, %arg0 : i32
    %mul3A_1 = arith.constant 25600 : i32
    %mul3A_2 = arith.muli %add3A, %mul3A_1 : i32
    %multiple_of3A = tpu.assume_multiple %mul3A_2, 25600 : i32
    "tpu.region"() ({
      %run_scoped3A = tpu.sem_alloc : memref<!tpu.dma_semaphore, #tpu.memory_space<semaphore_mem>>
      %dma_start3A_198 = tpu.memref_slice %arg3[%multiple_of3A] : memref<819200xi32, #tpu.memory_space<hbm>> -> memref<25600xi32, #tpu.memory_space<hbm>>
      %dma_start3A_199 = tpu.memref_slice %arg3[%multiple_of3A] : memref<819200xi32, #tpu.memory_space<hbm>> -> memref<25600xi32, #tpu.memory_space<hbm>>
      tpu.enqueue_dma source(%dma_start3A_199 : memref<25600xi32, #tpu.memory_space<hbm>>) target(%arg5 : memref<25600xi32, #tpu.memory_space<vmem>>) target_semaphore(%run_scoped3A : memref<!tpu.dma_semaphore, #tpu.memory_space<semaphore_mem>>)
      %dma_wait3A_200 = tpu.memref_slice %arg3[%multiple_of3A] : memref<819200xi32, #tpu.memory_space<hbm>> -> memref<25600xi32, #tpu.memory_space<hbm>>
      %dma_wait3A_201 = tpu.memref_slice %arg3[%multiple_of3A] : memref<819200xi32, #tpu.memory_space<hbm>> -> memref<25600xi32, #tpu.memory_space<hbm>>
      tpu.wait_dma2 semaphore(%run_scoped3A : memref<!tpu.dma_semaphore, #tpu.memory_space<semaphore_mem>>) src(%dma_wait3A_201 : memref<25600xi32, #tpu.memory_space<hbm>>) dst(%arg5 : memref<25600xi32, #tpu.memory_space<vmem>>)
      tpu.yield
    }) : () -> ()
    %dma_start3A = arith.constant 0 : i32
    %dma_start3A_3 = arith.constant 0 : i32
    %dma_start3A_4 = arith.constant 0 : i32
    %dma_start3A_5 = tpu.memref_slice %arg6[%dma_start3A, %dma_start3A_3, %dma_start3A_4] : memref<4x256x64xf32, #tpu.memory_space<vmem>> -> memref<1x256x64xf32, #tpu.memory_space<vmem>>
    %dma_start3A_6 = tpu.memref_squeeze %dma_start3A_5 : memref<1x256x64xf32, #tpu.memory_space<vmem>> -> memref<256x64xf32, #tpu.memory_space<vmem>>
    %dma_start3A_7 = arith.constant 0 : i32
    %dma_start3A_8 = tpu.memref_slice %arg5[%dma_start3A_7] : memref<25600xi32, #tpu.memory_space<vmem>> -> memref<256xi32, #tpu.memory_space<vmem>>
    %dma_start3A_9 = arith.constant 0 : i32
    %dma_start3A_10 = arith.constant 0 : i32
    %dma_start3A_11 = tpu.memref_slice %arg2[%dma_start3A_9, %dma_start3A_10] : memref<1000000x64xf32, #tpu.memory_space<hbm>> -> memref<1000000x64xf32, #tpu.memory_space<hbm>>
    tpu.enqueue_indirect_dma source(%dma_start3A_11 : memref<1000000x64xf32, #tpu.memory_space<hbm>>) target(%dma_start3A_6 : memref<256x64xf32, #tpu.memory_space<vmem>>) offsets(%dma_start3A_8 : memref<256xi32, #tpu.memory_space<vmem>>) semaphore(%arg7 : memref<!tpu.dma_semaphore, #tpu.memory_space<semaphore_mem>>)
    %dma_start3A_12 = arith.constant 1 : i32
    %dma_start3A_13 = arith.constant 0 : i32
    %dma_start3A_14 = arith.constant 0 : i32
    %dma_start3A_15 = tpu.memref_slice %arg6[%dma_start3A_12, %dma_start3A_13, %dma_start3A_14] : memref<4x256x64xf32, #tpu.memory_space<vmem>> -> memref<1x256x64xf32, #tpu.memory_space<vmem>>
    %dma_start3A_16 = tpu.memref_squeeze %dma_start3A_15 : memref<1x256x64xf32, #tpu.memory_space<vmem>> -> memref<256x64xf32, #tpu.memory_space<vmem>>
    %dma_start3A_17 = arith.constant 256 : i32
    %dma_start3A_18 = tpu.memref_slice %arg5[%dma_start3A_17] : memref<25600xi32, #tpu.memory_space<vmem>> -> memref<256xi32, #tpu.memory_space<vmem>>
    %dma_start3A_19 = arith.constant 0 : i32
    %dma_start3A_20 = arith.constant 0 : i32
    %dma_start3A_21 = tpu.memref_slice %arg2[%dma_start3A_19, %dma_start3A_20] : memref<1000000x64xf32, #tpu.memory_space<hbm>> -> memref<1000000x64xf32, #tpu.memory_space<hbm>>
    tpu.enqueue_indirect_dma source(%dma_start3A_21 : memref<1000000x64xf32, #tpu.memory_space<hbm>>) target(%dma_start3A_16 : memref<256x64xf32, #tpu.memory_space<vmem>>) offsets(%dma_start3A_18 : memref<256xi32, #tpu.memory_space<vmem>>) semaphore(%arg8 : memref<!tpu.dma_semaphore, #tpu.memory_space<semaphore_mem>>)
    %dma_start3A_22 = arith.constant 2 : i32
    %dma_start3A_23 = arith.constant 0 : i32
    %dma_start3A_24 = arith.constant 0 : i32
    %dma_start3A_25 = tpu.memref_slice %arg6[%dma_start3A_22, %dma_start3A_23, %dma_start3A_24] : memref<4x256x64xf32, #tpu.memory_space<vmem>> -> memref<1x256x64xf32, #tpu.memory_space<vmem>>
    %dma_start3A_26 = tpu.memref_squeeze %dma_start3A_25 : memref<1x256x64xf32, #tpu.memory_space<vmem>> -> memref<256x64xf32, #tpu.memory_space<vmem>>
    %dma_start3A_27 = arith.constant 512 : i32
    %dma_start3A_28 = tpu.memref_slice %arg5[%dma_start3A_27] : memref<25600xi32, #tpu.memory_space<vmem>> -> memref<256xi32, #tpu.memory_space<vmem>>
    %dma_start3A_29 = arith.constant 0 : i32
    %dma_start3A_30 = arith.constant 0 : i32
    %dma_start3A_31 = tpu.memref_slice %arg2[%dma_start3A_29, %dma_start3A_30] : memref<1000000x64xf32, #tpu.memory_space<hbm>> -> memref<1000000x64xf32, #tpu.memory_space<hbm>>
    tpu.enqueue_indirect_dma source(%dma_start3A_31 : memref<1000000x64xf32, #tpu.memory_space<hbm>>) target(%dma_start3A_26 : memref<256x64xf32, #tpu.memory_space<vmem>>) offsets(%dma_start3A_28 : memref<256xi32, #tpu.memory_space<vmem>>) semaphore(%arg9 : memref<!tpu.dma_semaphore, #tpu.memory_space<semaphore_mem>>)
    %dma_wait3A = arith.constant 0 : i32
    %dma_wait3A_32 = arith.constant 0 : i32
    %dma_wait3A_33 = arith.constant 0 : i32
    %dma_wait3A_34 = tpu.memref_slice %arg6[%dma_wait3A, %dma_wait3A_32, %dma_wait3A_33] : memref<4x256x64xf32, #tpu.memory_space<vmem>> -> memref<1x256x64xf32, #tpu.memory_space<vmem>>
    %dma_wait3A_35 = tpu.memref_squeeze %dma_wait3A_34 : memref<1x256x64xf32, #tpu.memory_space<vmem>> -> memref<256x64xf32, #tpu.memory_space<vmem>>
    %dma_wait3A_36 = arith.constant 0 : i32
    %dma_wait3A_37 = tpu.memref_slice %arg5[%dma_wait3A_36] : memref<25600xi32, #tpu.memory_space<vmem>> -> memref<256xi32, #tpu.memory_space<vmem>>
    %dma_wait3A_38 = arith.constant 0 : i32
    %dma_wait3A_39 = arith.constant 0 : i32
    %dma_wait3A_40 = tpu.memref_slice %arg2[%dma_wait3A_38, %dma_wait3A_39] : memref<1000000x64xf32, #tpu.memory_space<hbm>> -> memref<1000000x64xf32, #tpu.memory_space<hbm>>
    tpu.wait_indirect_dma semaphore(%arg7 : memref<!tpu.dma_semaphore, #tpu.memory_space<semaphore_mem>>) src(%dma_wait3A_40 : memref<1000000x64xf32, #tpu.memory_space<hbm>>) dst(%dma_wait3A_35 : memref<256x64xf32, #tpu.memory_space<vmem>>)
    %add3A_41 = arith.constant 0 : i32
    %add3A_42 = arith.addi %multiple_of3A, %add3A_41 : i32
    %dma_start3A_43 = arith.constant 0 : i32
    %dma_start3A_44 = arith.constant 0 : i32
    %dma_start3A_45 = arith.constant 0 : i32
    %dma_start3A_46 = tpu.memref_slice %arg6[%dma_start3A_43, %dma_start3A_44, %dma_start3A_45] : memref<4x256x64xf32, #tpu.memory_space<vmem>> -> memref<1x256x64xf32, #tpu.memory_space<vmem>>
    %dma_start3A_47 = tpu.memref_squeeze %dma_start3A_46 : memref<1x256x64xf32, #tpu.memory_space<vmem>> -> memref<256x64xf32, #tpu.memory_space<vmem>>
    %dma_start3A_48 = arith.constant 0 : i32
    %dma_start3A_49 = tpu.memref_slice %arg4[%add3A_42, %dma_start3A_48] : memref<819200x64xf32, #tpu.memory_space<hbm>> -> memref<256x64xf32, #tpu.memory_space<hbm>>
    %dma_start3A_50 = arith.constant 0 : i32
    %dma_start3A_51 = tpu.memref_slice %arg4[%add3A_42, %dma_start3A_50] : memref<819200x64xf32, #tpu.memory_space<hbm>> -> memref<256x64xf32, #tpu.memory_space<hbm>>
    %dma_start3A_52 = arith.constant 0 : i32
    %dma_start3A_53 = arith.constant 0 : i32
    %dma_start3A_54 = tpu.memref_slice %arg6[%dma_start3A_43, %dma_start3A_52, %dma_start3A_53] : memref<4x256x64xf32, #tpu.memory_space<vmem>> -> memref<1x256x64xf32, #tpu.memory_space<vmem>>
    %dma_start3A_55 = tpu.memref_squeeze %dma_start3A_54 : memref<1x256x64xf32, #tpu.memory_space<vmem>> -> memref<256x64xf32, #tpu.memory_space<vmem>>
    tpu.enqueue_dma source(%dma_start3A_55 : memref<256x64xf32, #tpu.memory_space<vmem>>) target(%dma_start3A_51 : memref<256x64xf32, #tpu.memory_space<hbm>>) target_semaphore(%arg11 : memref<!tpu.dma_semaphore, #tpu.memory_space<semaphore_mem>>)
    %dma_start3A_56 = arith.constant 3 : i32
    %dma_start3A_57 = arith.constant 0 : i32
    %dma_start3A_58 = arith.constant 0 : i32
    %dma_start3A_59 = tpu.memref_slice %arg6[%dma_start3A_56, %dma_start3A_57, %dma_start3A_58] : memref<4x256x64xf32, #tpu.memory_space<vmem>> -> memref<1x256x64xf32, #tpu.memory_space<vmem>>
    %dma_start3A_60 = tpu.memref_squeeze %dma_start3A_59 : memref<1x256x64xf32, #tpu.memory_space<vmem>> -> memref<256x64xf32, #tpu.memory_space<vmem>>
    %dma_start3A_61 = arith.constant 768 : i32
    %dma_start3A_62 = tpu.memref_slice %arg5[%dma_start3A_61] : memref<25600xi32, #tpu.memory_space<vmem>> -> memref<256xi32, #tpu.memory_space<vmem>>
    %dma_start3A_63 = arith.constant 0 : i32
    %dma_start3A_64 = arith.constant 0 : i32
    %dma_start3A_65 = tpu.memref_slice %arg2[%dma_start3A_63, %dma_start3A_64] : memref<1000000x64xf32, #tpu.memory_space<hbm>> -> memref<1000000x64xf32, #tpu.memory_space<hbm>>
    tpu.enqueue_indirect_dma source(%dma_start3A_65 : memref<1000000x64xf32, #tpu.memory_space<hbm>>) target(%dma_start3A_60 : memref<256x64xf32, #tpu.memory_space<vmem>>) offsets(%dma_start3A_62 : memref<256xi32, #tpu.memory_space<vmem>>) semaphore(%arg10 : memref<!tpu.dma_semaphore, #tpu.memory_space<semaphore_mem>>)
    %scan3A = arith.constant 0 : i32
    %scan3A_66 = arith.constant 0 : i32
    %scan3A_67 = arith.constant 24 : i32
    %scan3A_68 = arith.addi %scan3A_66, %scan3A_67 : i32
    %scan3A_69 = arith.constant 1 : i32
    scf.for %scan3A_198 = %scan3A_66 to %scan3A_68 step %scan3A_69  : i32 {
      %mul3A_199 = arith.constant 4 : i32
      %mul3A_200 = arith.muli %scan3A_198, %mul3A_199 : i32
      %add3A_201 = arith.constant 1 : i32
      %add3A_202 = arith.addi %add3A_201, %mul3A_200 : i32
      %add3A_203 = arith.constant 0 : i32
      %add3A_204 = arith.addi %add3A_202, %add3A_203 : i32
      %dma_wait3A_205 = arith.constant 1 : i32
      %dma_wait3A_206 = arith.constant 0 : i32
      %dma_wait3A_207 = arith.constant 0 : i32
      %dma_wait3A_208 = tpu.memref_slice %arg6[%dma_wait3A_205, %dma_wait3A_206, %dma_wait3A_207] : memref<4x256x64xf32, #tpu.memory_space<vmem>> -> memref<1x256x64xf32, #tpu.memory_space<vmem>>
      %dma_wait3A_209 = tpu.memref_squeeze %dma_wait3A_208 : memref<1x256x64xf32, #tpu.memory_space<vmem>> -> memref<256x64xf32, #tpu.memory_space<vmem>>
      %dma_wait3A_210 = arith.constant 0 : i32
      %dma_wait3A_211 = tpu.memref_slice %arg5[%dma_wait3A_210] : memref<25600xi32, #tpu.memory_space<vmem>> -> memref<256xi32, #tpu.memory_space<vmem>>
      %dma_wait3A_212 = arith.constant 0 : i32
      %dma_wait3A_213 = arith.constant 0 : i32
      %dma_wait3A_214 = tpu.memref_slice %arg2[%dma_wait3A_212, %dma_wait3A_213] : memref<1000000x64xf32, #tpu.memory_space<hbm>> -> memref<1000000x64xf32, #tpu.memory_space<hbm>>
      tpu.wait_indirect_dma semaphore(%arg8 : memref<!tpu.dma_semaphore, #tpu.memory_space<semaphore_mem>>) src(%dma_wait3A_214 : memref<1000000x64xf32, #tpu.memory_space<hbm>>) dst(%dma_wait3A_209 : memref<256x64xf32, #tpu.memory_space<vmem>>)
      %mul3A_215 = arith.constant 256 : i32
      %mul3A_216 = arith.muli %add3A_204, %mul3A_215 : i32
      %add3A_217 = arith.addi %multiple_of3A, %mul3A_216 : i32
      %dma_start3A_218 = arith.constant 1 : i32
      %dma_start3A_219 = arith.constant 0 : i32
      %dma_start3A_220 = arith.constant 0 : i32
      %dma_start3A_221 = tpu.memref_slice %arg6[%dma_start3A_218, %dma_start3A_219, %dma_start3A_220] : memref<4x256x64xf32, #tpu.memory_space<vmem>> -> memref<1x256x64xf32, #tpu.memory_space<vmem>>
      %dma_start3A_222 = tpu.memref_squeeze %dma_start3A_221 : memref<1x256x64xf32, #tpu.memory_space<vmem>> -> memref<256x64xf32, #tpu.memory_space<vmem>>
      %dma_start3A_223 = arith.constant 0 : i32
      %dma_start3A_224 = tpu.memref_slice %arg4[%add3A_217, %dma_start3A_223] : memref<819200x64xf32, #tpu.memory_space<hbm>> -> memref<256x64xf32, #tpu.memory_space<hbm>>
      %dma_start3A_225 = arith.constant 0 : i32
      %dma_start3A_226 = tpu.memref_slice %arg4[%add3A_217, %dma_start3A_225] : memref<819200x64xf32, #tpu.memory_space<hbm>> -> memref<256x64xf32, #tpu.memory_space<hbm>>
      %dma_start3A_227 = arith.constant 0 : i32
      %dma_start3A_228 = arith.constant 0 : i32
      %dma_start3A_229 = tpu.memref_slice %arg6[%dma_start3A_218, %dma_start3A_227, %dma_start3A_228] : memref<4x256x64xf32, #tpu.memory_space<vmem>> -> memref<1x256x64xf32, #tpu.memory_space<vmem>>
      %dma_start3A_230 = tpu.memref_squeeze %dma_start3A_229 : memref<1x256x64xf32, #tpu.memory_space<vmem>> -> memref<256x64xf32, #tpu.memory_space<vmem>>
      tpu.enqueue_dma source(%dma_start3A_230 : memref<256x64xf32, #tpu.memory_space<vmem>>) target(%dma_start3A_226 : memref<256x64xf32, #tpu.memory_space<hbm>>) target_semaphore(%arg12 : memref<!tpu.dma_semaphore, #tpu.memory_space<semaphore_mem>>)
      %dma_wait3A_231 = arith.constant 0 : i32
      %dma_wait3A_232 = arith.constant 0 : i32
      %dma_wait3A_233 = arith.constant 0 : i32
      %dma_wait3A_234 = tpu.memref_slice %arg6[%dma_wait3A_231, %dma_wait3A_232, %dma_wait3A_233] : memref<4x256x64xf32, #tpu.memory_space<vmem>> -> memref<1x256x64xf32, #tpu.memory_space<vmem>>
      %dma_wait3A_235 = tpu.memref_squeeze %dma_wait3A_234 : memref<1x256x64xf32, #tpu.memory_space<vmem>> -> memref<256x64xf32, #tpu.memory_space<vmem>>
      %dma_wait3A_236 = arith.constant 0 : i32
      %dma_wait3A_237 = tpu.memref_slice %arg4[%multiple_of3A, %dma_wait3A_236] : memref<819200x64xf32, #tpu.memory_space<hbm>> -> memref<256x64xf32, #tpu.memory_space<hbm>>
      %dma_wait3A_238 = arith.constant 0 : i32
      %dma_wait3A_239 = tpu.memref_slice %arg4[%multiple_of3A, %dma_wait3A_238] : memref<819200x64xf32, #tpu.memory_space<hbm>> -> memref<256x64xf32, #tpu.memory_space<hbm>>
      %dma_wait3A_240 = arith.constant 0 : i32
      %dma_wait3A_241 = arith.constant 0 : i32
      %dma_wait3A_242 = tpu.memref_slice %arg6[%dma_wait3A_231, %dma_wait3A_240, %dma_wait3A_241] : memref<4x256x64xf32, #tpu.memory_space<vmem>> -> memref<1x256x64xf32, #tpu.memory_space<vmem>>
      %dma_wait3A_243 = tpu.memref_squeeze %dma_wait3A_242 : memref<1x256x64xf32, #tpu.memory_space<vmem>> -> memref<256x64xf32, #tpu.memory_space<vmem>>
      tpu.wait_dma2 semaphore(%arg11 : memref<!tpu.dma_semaphore, #tpu.memory_space<semaphore_mem>>) src(%dma_wait3A_243 : memref<256x64xf32, #tpu.memory_space<vmem>>) dst(%dma_wait3A_239 : memref<256x64xf32, #tpu.memory_space<hbm>>)
      %add3A_244 = arith.constant 4 : i32
      %add3A_245 = arith.addi %add3A_204, %add3A_244 : i32
      %sub3A = arith.constant 1 : i32
      %sub3A_246 = arith.subi %add3A_245, %sub3A : i32
      %mul3A_247 = arith.constant 256 : i32
      %mul3A_248 = arith.muli %sub3A_246, %mul3A_247 : i32
      %dma_start3A_249 = arith.constant 0 : i32
      %dma_start3A_250 = arith.constant 0 : i32
      %dma_start3A_251 = arith.constant 0 : i32
      %dma_start3A_252 = tpu.memref_slice %arg6[%dma_start3A_249, %dma_start3A_250, %dma_start3A_251] : memref<4x256x64xf32, #tpu.memory_space<vmem>> -> memref<1x256x64xf32, #tpu.memory_space<vmem>>
      %dma_start3A_253 = tpu.memref_squeeze %dma_start3A_252 : memref<1x256x64xf32, #tpu.memory_space<vmem>> -> memref<256x64xf32, #tpu.memory_space<vmem>>
      %dma_start3A_254 = tpu.memref_slice %arg5[%mul3A_248] : memref<25600xi32, #tpu.memory_space<vmem>> -> memref<256xi32, #tpu.memory_space<vmem>>
      %dma_start3A_255 = arith.constant 0 : i32
      %dma_start3A_256 = arith.constant 0 : i32
      %dma_start3A_257 = tpu.memref_slice %arg2[%dma_start3A_255, %dma_start3A_256] : memref<1000000x64xf32, #tpu.memory_space<hbm>> -> memref<1000000x64xf32, #tpu.memory_space<hbm>>
      tpu.enqueue_indirect_dma source(%dma_start3A_257 : memref<1000000x64xf32, #tpu.memory_space<hbm>>) target(%dma_start3A_253 : memref<256x64xf32, #tpu.memory_space<vmem>>) offsets(%dma_start3A_254 : memref<256xi32, #tpu.memory_space<vmem>>) semaphore(%arg7 : memref<!tpu.dma_semaphore, #tpu.memory_space<semaphore_mem>>)
      %mul3A_258 = arith.constant 4 : i32
      %mul3A_259 = arith.muli %scan3A_198, %mul3A_258 : i32
      %add3A_260 = arith.constant 1 : i32
      %add3A_261 = arith.addi %add3A_260, %mul3A_259 : i32
      %add3A_262 = arith.constant 1 : i32
      %add3A_263 = arith.addi %add3A_261, %add3A_262 : i32
      %dma_wait3A_264 = arith.constant 2 : i32
      %dma_wait3A_265 = arith.constant 0 : i32
      %dma_wait3A_266 = arith.constant 0 : i32
      %dma_wait3A_267 = tpu.memref_slice %arg6[%dma_wait3A_264, %dma_wait3A_265, %dma_wait3A_266] : memref<4x256x64xf32, #tpu.memory_space<vmem>> -> memref<1x256x64xf32, #tpu.memory_space<vmem>>
      %dma_wait3A_268 = tpu.memref_squeeze %dma_wait3A_267 : memref<1x256x64xf32, #tpu.memory_space<vmem>> -> memref<256x64xf32, #tpu.memory_space<vmem>>
      %dma_wait3A_269 = arith.constant 0 : i32
      %dma_wait3A_270 = tpu.memref_slice %arg5[%dma_wait3A_269] : memref<25600xi32, #tpu.memory_space<vmem>> -> memref<256xi32, #tpu.memory_space<vmem>>
      %dma_wait3A_271 = arith.constant 0 : i32
      %dma_wait3A_272 = arith.constant 0 : i32
      %dma_wait3A_273 = tpu.memref_slice %arg2[%dma_wait3A_271, %dma_wait3A_272] : memref<1000000x64xf32, #tpu.memory_space<hbm>> -> memref<1000000x64xf32, #tpu.memory_space<hbm>>
      tpu.wait_indirect_dma semaphore(%arg9 : memref<!tpu.dma_semaphore, #tpu.memory_space<semaphore_mem>>) src(%dma_wait3A_273 : memref<1000000x64xf32, #tpu.memory_space<hbm>>) dst(%dma_wait3A_268 : memref<256x64xf32, #tpu.memory_space<vmem>>)
      %mul3A_274 = arith.constant 256 : i32
      %mul3A_275 = arith.muli %add3A_263, %mul3A_274 : i32
      %add3A_276 = arith.addi %multiple_of3A, %mul3A_275 : i32
      %dma_start3A_277 = arith.constant 2 : i32
      %dma_start3A_278 = arith.constant 0 : i32
      %dma_start3A_279 = arith.constant 0 : i32
      %dma_start3A_280 = tpu.memref_slice %arg6[%dma_start3A_277, %dma_start3A_278, %dma_start3A_279] : memref<4x256x64xf32, #tpu.memory_space<vmem>> -> memref<1x256x64xf32, #tpu.memory_space<vmem>>
      %dma_start3A_281 = tpu.memref_squeeze %dma_start3A_280 : memref<1x256x64xf32, #tpu.memory_space<vmem>> -> memref<256x64xf32, #tpu.memory_space<vmem>>
      %dma_start3A_282 = arith.constant 0 : i32
      %dma_start3A_283 = tpu.memref_slice %arg4[%add3A_276, %dma_start3A_282] : memref<819200x64xf32, #tpu.memory_space<hbm>> -> memref<256x64xf32, #tpu.memory_space<hbm>>
      %dma_start3A_284 = arith.constant 0 : i32
      %dma_start3A_285 = tpu.memref_slice %arg4[%add3A_276, %dma_start3A_284] : memref<819200x64xf32, #tpu.memory_space<hbm>> -> memref<256x64xf32, #tpu.memory_space<hbm>>
      %dma_start3A_286 = arith.constant 0 : i32
      %dma_start3A_287 = arith.constant 0 : i32
      %dma_start3A_288 = tpu.memref_slice %arg6[%dma_start3A_277, %dma_start3A_286, %dma_start3A_287] : memref<4x256x64xf32, #tpu.memory_space<vmem>> -> memref<1x256x64xf32, #tpu.memory_space<vmem>>
      %dma_start3A_289 = tpu.memref_squeeze %dma_start3A_288 : memref<1x256x64xf32, #tpu.memory_space<vmem>> -> memref<256x64xf32, #tpu.memory_space<vmem>>
      tpu.enqueue_dma source(%dma_start3A_289 : memref<256x64xf32, #tpu.memory_space<vmem>>) target(%dma_start3A_285 : memref<256x64xf32, #tpu.memory_space<hbm>>) target_semaphore(%arg13 : memref<!tpu.dma_semaphore, #tpu.memory_space<semaphore_mem>>)
      %dma_wait3A_290 = arith.constant 1 : i32
      %dma_wait3A_291 = arith.constant 0 : i32
      %dma_wait3A_292 = arith.constant 0 : i32
      %dma_wait3A_293 = tpu.memref_slice %arg6[%dma_wait3A_290, %dma_wait3A_291, %dma_wait3A_292] : memref<4x256x64xf32, #tpu.memory_space<vmem>> -> memref<1x256x64xf32, #tpu.memory_space<vmem>>
      %dma_wait3A_294 = tpu.memref_squeeze %dma_wait3A_293 : memref<1x256x64xf32, #tpu.memory_space<vmem>> -> memref<256x64xf32, #tpu.memory_space<vmem>>
      %dma_wait3A_295 = arith.constant 0 : i32
      %dma_wait3A_296 = tpu.memref_slice %arg4[%multiple_of3A, %dma_wait3A_295] : memref<819200x64xf32, #tpu.memory_space<hbm>> -> memref<256x64xf32, #tpu.memory_space<hbm>>
      %dma_wait3A_297 = arith.constant 0 : i32
      %dma_wait3A_298 = tpu.memref_slice %arg4[%multiple_of3A, %dma_wait3A_297] : memref<819200x64xf32, #tpu.memory_space<hbm>> -> memref<256x64xf32, #tpu.memory_space<hbm>>
      %dma_wait3A_299 = arith.constant 0 : i32
      %dma_wait3A_300 = arith.constant 0 : i32
      %dma_wait3A_301 = tpu.memref_slice %arg6[%dma_wait3A_290, %dma_wait3A_299, %dma_wait3A_300] : memref<4x256x64xf32, #tpu.memory_space<vmem>> -> memref<1x256x64xf32, #tpu.memory_space<vmem>>
      %dma_wait3A_302 = tpu.memref_squeeze %dma_wait3A_301 : memref<1x256x64xf32, #tpu.memory_space<vmem>> -> memref<256x64xf32, #tpu.memory_space<vmem>>
      tpu.wait_dma2 semaphore(%arg12 : memref<!tpu.dma_semaphore, #tpu.memory_space<semaphore_mem>>) src(%dma_wait3A_302 : memref<256x64xf32, #tpu.memory_space<vmem>>) dst(%dma_wait3A_298 : memref<256x64xf32, #tpu.memory_space<hbm>>)
      %add3A_303 = arith.constant 4 : i32
      %add3A_304 = arith.addi %add3A_263, %add3A_303 : i32
      %sub3A_305 = arith.constant 1 : i32
      %sub3A_306 = arith.subi %add3A_304, %sub3A_305 : i32
      %mul3A_307 = arith.constant 256 : i32
      %mul3A_308 = arith.muli %sub3A_306, %mul3A_307 : i32
      %dma_start3A_309 = arith.constant 1 : i32
      %dma_start3A_310 = arith.constant 0 : i32
      %dma_start3A_311 = arith.constant 0 : i32
      %dma_start3A_312 = tpu.memref_slice %arg6[%dma_start3A_309, %dma_start3A_310, %dma_start3A_311] : memref<4x256x64xf32, #tpu.memory_space<vmem>> -> memref<1x256x64xf32, #tpu.memory_space<vmem>>
      %dma_start3A_313 = tpu.memref_squeeze %dma_start3A_312 : memref<1x256x64xf32, #tpu.memory_space<vmem>> -> memref<256x64xf32, #tpu.memory_space<vmem>>
      %dma_start3A_314 = tpu.memref_slice %arg5[%mul3A_308] : memref<25600xi32, #tpu.memory_space<vmem>> -> memref<256xi32, #tpu.memory_space<vmem>>
      %dma_start3A_315 = arith.constant 0 : i32
      %dma_start3A_316 = arith.constant 0 : i32
      %dma_start3A_317 = tpu.memref_slice %arg2[%dma_start3A_315, %dma_start3A_316] : memref<1000000x64xf32, #tpu.memory_space<hbm>> -> memref<1000000x64xf32, #tpu.memory_space<hbm>>
      tpu.enqueue_indirect_dma source(%dma_start3A_317 : memref<1000000x64xf32, #tpu.memory_space<hbm>>) target(%dma_start3A_313 : memref<256x64xf32, #tpu.memory_space<vmem>>) offsets(%dma_start3A_314 : memref<256xi32, #tpu.memory_space<vmem>>) semaphore(%arg8 : memref<!tpu.dma_semaphore, #tpu.memory_space<semaphore_mem>>)
      %mul3A_318 = arith.constant 4 : i32
      %mul3A_319 = arith.muli %scan3A_198, %mul3A_318 : i32
      %add3A_320 = arith.constant 1 : i32
      %add3A_321 = arith.addi %add3A_320, %mul3A_319 : i32
      %add3A_322 = arith.constant 2 : i32
      %add3A_323 = arith.addi %add3A_321, %add3A_322 : i32
      %dma_wait3A_324 = arith.constant 3 : i32
      %dma_wait3A_325 = arith.constant 0 : i32
      %dma_wait3A_326 = arith.constant 0 : i32
      %dma_wait3A_327 = tpu.memref_slice %arg6[%dma_wait3A_324, %dma_wait3A_325, %dma_wait3A_326] : memref<4x256x64xf32, #tpu.memory_space<vmem>> -> memref<1x256x64xf32, #tpu.memory_space<vmem>>
      %dma_wait3A_328 = tpu.memref_squeeze %dma_wait3A_327 : memref<1x256x64xf32, #tpu.memory_space<vmem>> -> memref<256x64xf32, #tpu.memory_space<vmem>>
      %dma_wait3A_329 = arith.constant 0 : i32
      %dma_wait3A_330 = tpu.memref_slice %arg5[%dma_wait3A_329] : memref<25600xi32, #tpu.memory_space<vmem>> -> memref<256xi32, #tpu.memory_space<vmem>>
      %dma_wait3A_331 = arith.constant 0 : i32
      %dma_wait3A_332 = arith.constant 0 : i32
      %dma_wait3A_333 = tpu.memref_slice %arg2[%dma_wait3A_331, %dma_wait3A_332] : memref<1000000x64xf32, #tpu.memory_space<hbm>> -> memref<1000000x64xf32, #tpu.memory_space<hbm>>
      tpu.wait_indirect_dma semaphore(%arg10 : memref<!tpu.dma_semaphore, #tpu.memory_space<semaphore_mem>>) src(%dma_wait3A_333 : memref<1000000x64xf32, #tpu.memory_space<hbm>>) dst(%dma_wait3A_328 : memref<256x64xf32, #tpu.memory_space<vmem>>)
      %mul3A_334 = arith.constant 256 : i32
      %mul3A_335 = arith.muli %add3A_323, %mul3A_334 : i32
      %add3A_336 = arith.addi %multiple_of3A, %mul3A_335 : i32
      %dma_start3A_337 = arith.constant 3 : i32
      %dma_start3A_338 = arith.constant 0 : i32
      %dma_start3A_339 = arith.constant 0 : i32
      %dma_start3A_340 = tpu.memref_slice %arg6[%dma_start3A_337, %dma_start3A_338, %dma_start3A_339] : memref<4x256x64xf32, #tpu.memory_space<vmem>> -> memref<1x256x64xf32, #tpu.memory_space<vmem>>
      %dma_start3A_341 = tpu.memref_squeeze %dma_start3A_340 : memref<1x256x64xf32, #tpu.memory_space<vmem>> -> memref<256x64xf32, #tpu.memory_space<vmem>>
      %dma_start3A_342 = arith.constant 0 : i32
      %dma_start3A_343 = tpu.memref_slice %arg4[%add3A_336, %dma_start3A_342] : memref<819200x64xf32, #tpu.memory_space<hbm>> -> memref<256x64xf32, #tpu.memory_space<hbm>>
      %dma_start3A_344 = arith.constant 0 : i32
      %dma_start3A_345 = tpu.memref_slice %arg4[%add3A_336, %dma_start3A_344] : memref<819200x64xf32, #tpu.memory_space<hbm>> -> memref<256x64xf32, #tpu.memory_space<hbm>>
      %dma_start3A_346 = arith.constant 0 : i32
      %dma_start3A_347 = arith.constant 0 : i32
      %dma_start3A_348 = tpu.memref_slice %arg6[%dma_start3A_337, %dma_start3A_346, %dma_start3A_347] : memref<4x256x64xf32, #tpu.memory_space<vmem>> -> memref<1x256x64xf32, #tpu.memory_space<vmem>>
      %dma_start3A_349 = tpu.memref_squeeze %dma_start3A_348 : memref<1x256x64xf32, #tpu.memory_space<vmem>> -> memref<256x64xf32, #tpu.memory_space<vmem>>
      tpu.enqueue_dma source(%dma_start3A_349 : memref<256x64xf32, #tpu.memory_space<vmem>>) target(%dma_start3A_345 : memref<256x64xf32, #tpu.memory_space<hbm>>) target_semaphore(%arg14 : memref<!tpu.dma_semaphore, #tpu.memory_space<semaphore_mem>>)
      %dma_wait3A_350 = arith.constant 2 : i32
      %dma_wait3A_351 = arith.constant 0 : i32
      %dma_wait3A_352 = arith.constant 0 : i32
      %dma_wait3A_353 = tpu.memref_slice %arg6[%dma_wait3A_350, %dma_wait3A_351, %dma_wait3A_352] : memref<4x256x64xf32, #tpu.memory_space<vmem>> -> memref<1x256x64xf32, #tpu.memory_space<vmem>>
      %dma_wait3A_354 = tpu.memref_squeeze %dma_wait3A_353 : memref<1x256x64xf32, #tpu.memory_space<vmem>> -> memref<256x64xf32, #tpu.memory_space<vmem>>
      %dma_wait3A_355 = arith.constant 0 : i32
      %dma_wait3A_356 = tpu.memref_slice %arg4[%multiple_of3A, %dma_wait3A_355] : memref<819200x64xf32, #tpu.memory_space<hbm>> -> memref<256x64xf32, #tpu.memory_space<hbm>>
      %dma_wait3A_357 = arith.constant 0 : i32
      %dma_wait3A_358 = tpu.memref_slice %arg4[%multiple_of3A, %dma_wait3A_357] : memref<819200x64xf32, #tpu.memory_space<hbm>> -> memref<256x64xf32, #tpu.memory_space<hbm>>
      %dma_wait3A_359 = arith.constant 0 : i32
      %dma_wait3A_360 = arith.constant 0 : i32
      %dma_wait3A_361 = tpu.memref_slice %arg6[%dma_wait3A_350, %dma_wait3A_359, %dma_wait3A_360] : memref<4x256x64xf32, #tpu.memory_space<vmem>> -> memref<1x256x64xf32, #tpu.memory_space<vmem>>
      %dma_wait3A_362 = tpu.memref_squeeze %dma_wait3A_361 : memref<1x256x64xf32, #tpu.memory_space<vmem>> -> memref<256x64xf32, #tpu.memory_space<vmem>>
      tpu.wait_dma2 semaphore(%arg13 : memref<!tpu.dma_semaphore, #tpu.memory_space<semaphore_mem>>) src(%dma_wait3A_362 : memref<256x64xf32, #tpu.memory_space<vmem>>) dst(%dma_wait3A_358 : memref<256x64xf32, #tpu.memory_space<hbm>>)
      %add3A_363 = arith.constant 4 : i32
      %add3A_364 = arith.addi %add3A_323, %add3A_363 : i32
      %sub3A_365 = arith.constant 1 : i32
      %sub3A_366 = arith.subi %add3A_364, %sub3A_365 : i32
      %mul3A_367 = arith.constant 256 : i32
      %mul3A_368 = arith.muli %sub3A_366, %mul3A_367 : i32
      %dma_start3A_369 = arith.constant 2 : i32
      %dma_start3A_370 = arith.constant 0 : i32
      %dma_start3A_371 = arith.constant 0 : i32
      %dma_start3A_372 = tpu.memref_slice %arg6[%dma_start3A_369, %dma_start3A_370, %dma_start3A_371] : memref<4x256x64xf32, #tpu.memory_space<vmem>> -> memref<1x256x64xf32, #tpu.memory_space<vmem>>
      %dma_start3A_373 = tpu.memref_squeeze %dma_start3A_372 : memref<1x256x64xf32, #tpu.memory_space<vmem>> -> memref<256x64xf32, #tpu.memory_space<vmem>>
      %dma_start3A_374 = tpu.memref_slice %arg5[%mul3A_368] : memref<25600xi32, #tpu.memory_space<vmem>> -> memref<256xi32, #tpu.memory_space<vmem>>
      %dma_start3A_375 = arith.constant 0 : i32
      %dma_start3A_376 = arith.constant 0 : i32
      %dma_start3A_377 = tpu.memref_slice %arg2[%dma_start3A_375, %dma_start3A_376] : memref<1000000x64xf32, #tpu.memory_space<hbm>> -> memref<1000000x64xf32, #tpu.memory_space<hbm>>
      tpu.enqueue_indirect_dma source(%dma_start3A_377 : memref<1000000x64xf32, #tpu.memory_space<hbm>>) target(%dma_start3A_373 : memref<256x64xf32, #tpu.memory_space<vmem>>) offsets(%dma_start3A_374 : memref<256xi32, #tpu.memory_space<vmem>>) semaphore(%arg9 : memref<!tpu.dma_semaphore, #tpu.memory_space<semaphore_mem>>)
      %mul3A_378 = arith.constant 4 : i32
      %mul3A_379 = arith.muli %scan3A_198, %mul3A_378 : i32
      %add3A_380 = arith.constant 1 : i32
      %add3A_381 = arith.addi %add3A_380, %mul3A_379 : i32
      %add3A_382 = arith.constant 3 : i32
      %add3A_383 = arith.addi %add3A_381, %add3A_382 : i32
      %dma_wait3A_384 = arith.constant 0 : i32
      %dma_wait3A_385 = arith.constant 0 : i32
      %dma_wait3A_386 = arith.constant 0 : i32
      %dma_wait3A_387 = tpu.memref_slice %arg6[%dma_wait3A_384, %dma_wait3A_385, %dma_wait3A_386] : memref<4x256x64xf32, #tpu.memory_space<vmem>> -> memref<1x256x64xf32, #tpu.memory_space<vmem>>
      %dma_wait3A_388 = tpu.memref_squeeze %dma_wait3A_387 : memref<1x256x64xf32, #tpu.memory_space<vmem>> -> memref<256x64xf32, #tpu.memory_space<vmem>>
      %dma_wait3A_389 = arith.constant 0 : i32
      %dma_wait3A_390 = tpu.memref_slice %arg5[%dma_wait3A_389] : memref<25600xi32, #tpu.memory_space<vmem>> -> memref<256xi32, #tpu.memory_space<vmem>>
      %dma_wait3A_391 = arith.constant 0 : i32
      %dma_wait3A_392 = arith.constant 0 : i32
      %dma_wait3A_393 = tpu.memref_slice %arg2[%dma_wait3A_391, %dma_wait3A_392] : memref<1000000x64xf32, #tpu.memory_space<hbm>> -> memref<1000000x64xf32, #tpu.memory_space<hbm>>
      tpu.wait_indirect_dma semaphore(%arg7 : memref<!tpu.dma_semaphore, #tpu.memory_space<semaphore_mem>>) src(%dma_wait3A_393 : memref<1000000x64xf32, #tpu.memory_space<hbm>>) dst(%dma_wait3A_388 : memref<256x64xf32, #tpu.memory_space<vmem>>)
      %mul3A_394 = arith.constant 256 : i32
      %mul3A_395 = arith.muli %add3A_383, %mul3A_394 : i32
      %add3A_396 = arith.addi %multiple_of3A, %mul3A_395 : i32
      %dma_start3A_397 = arith.constant 0 : i32
      %dma_start3A_398 = arith.constant 0 : i32
      %dma_start3A_399 = arith.constant 0 : i32
      %dma_start3A_400 = tpu.memref_slice %arg6[%dma_start3A_397, %dma_start3A_398, %dma_start3A_399] : memref<4x256x64xf32, #tpu.memory_space<vmem>> -> memref<1x256x64xf32, #tpu.memory_space<vmem>>
      %dma_start3A_401 = tpu.memref_squeeze %dma_start3A_400 : memref<1x256x64xf32, #tpu.memory_space<vmem>> -> memref<256x64xf32, #tpu.memory_space<vmem>>
      %dma_start3A_402 = arith.constant 0 : i32
      %dma_start3A_403 = tpu.memref_slice %arg4[%add3A_396, %dma_start3A_402] : memref<819200x64xf32, #tpu.memory_space<hbm>> -> memref<256x64xf32, #tpu.memory_space<hbm>>
      %dma_start3A_404 = arith.constant 0 : i32
      %dma_start3A_405 = tpu.memref_slice %arg4[%add3A_396, %dma_start3A_404] : memref<819200x64xf32, #tpu.memory_space<hbm>> -> memref<256x64xf32, #tpu.memory_space<hbm>>
      %dma_start3A_406 = arith.constant 0 : i32
      %dma_start3A_407 = arith.constant 0 : i32
      %dma_start3A_408 = tpu.memref_slice %arg6[%dma_start3A_397, %dma_start3A_406, %dma_start3A_407] : memref<4x256x64xf32, #tpu.memory_space<vmem>> -> memref<1x256x64xf32, #tpu.memory_space<vmem>>
      %dma_start3A_409 = tpu.memref_squeeze %dma_start3A_408 : memref<1x256x64xf32, #tpu.memory_space<vmem>> -> memref<256x64xf32, #tpu.memory_space<vmem>>
      tpu.enqueue_dma source(%dma_start3A_409 : memref<256x64xf32, #tpu.memory_space<vmem>>) target(%dma_start3A_405 : memref<256x64xf32, #tpu.memory_space<hbm>>) target_semaphore(%arg11 : memref<!tpu.dma_semaphore, #tpu.memory_space<semaphore_mem>>)
      %dma_wait3A_410 = arith.constant 3 : i32
      %dma_wait3A_411 = arith.constant 0 : i32
      %dma_wait3A_412 = arith.constant 0 : i32
      %dma_wait3A_413 = tpu.memref_slice %arg6[%dma_wait3A_410, %dma_wait3A_411, %dma_wait3A_412] : memref<4x256x64xf32, #tpu.memory_space<vmem>> -> memref<1x256x64xf32, #tpu.memory_space<vmem>>
      %dma_wait3A_414 = tpu.memref_squeeze %dma_wait3A_413 : memref<1x256x64xf32, #tpu.memory_space<vmem>> -> memref<256x64xf32, #tpu.memory_space<vmem>>
      %dma_wait3A_415 = arith.constant 0 : i32
      %dma_wait3A_416 = tpu.memref_slice %arg4[%multiple_of3A, %dma_wait3A_415] : memref<819200x64xf32, #tpu.memory_space<hbm>> -> memref<256x64xf32, #tpu.memory_space<hbm>>
      %dma_wait3A_417 = arith.constant 0 : i32
      %dma_wait3A_418 = tpu.memref_slice %arg4[%multiple_of3A, %dma_wait3A_417] : memref<819200x64xf32, #tpu.memory_space<hbm>> -> memref<256x64xf32, #tpu.memory_space<hbm>>
      %dma_wait3A_419 = arith.constant 0 : i32
      %dma_wait3A_420 = arith.constant 0 : i32
      %dma_wait3A_421 = tpu.memref_slice %arg6[%dma_wait3A_410, %dma_wait3A_419, %dma_wait3A_420] : memref<4x256x64xf32, #tpu.memory_space<vmem>> -> memref<1x256x64xf32, #tpu.memory_space<vmem>>
      %dma_wait3A_422 = tpu.memref_squeeze %dma_wait3A_421 : memref<1x256x64xf32, #tpu.memory_space<vmem>> -> memref<256x64xf32, #tpu.memory_space<vmem>>
      tpu.wait_dma2 semaphore(%arg14 : memref<!tpu.dma_semaphore, #tpu.memory_space<semaphore_mem>>) src(%dma_wait3A_422 : memref<256x64xf32, #tpu.memory_space<vmem>>) dst(%dma_wait3A_418 : memref<256x64xf32, #tpu.memory_space<hbm>>)
      %add3A_423 = arith.constant 4 : i32
      %add3A_424 = arith.addi %add3A_383, %add3A_423 : i32
      %sub3A_425 = arith.constant 1 : i32
      %sub3A_426 = arith.subi %add3A_424, %sub3A_425 : i32
      %mul3A_427 = arith.constant 256 : i32
      %mul3A_428 = arith.muli %sub3A_426, %mul3A_427 : i32
      %dma_start3A_429 = arith.constant 3 : i32
      %dma_start3A_430 = arith.constant 0 : i32
      %dma_start3A_431 = arith.constant 0 : i32
      %dma_start3A_432 = tpu.memref_slice %arg6[%dma_start3A_429, %dma_start3A_430, %dma_start3A_431] : memref<4x256x64xf32, #tpu.memory_space<vmem>> -> memref<1x256x64xf32, #tpu.memory_space<vmem>>
      %dma_start3A_433 = tpu.memref_squeeze %dma_start3A_432 : memref<1x256x64xf32, #tpu.memory_space<vmem>> -> memref<256x64xf32, #tpu.memory_space<vmem>>
      %dma_start3A_434 = tpu.memref_slice %arg5[%mul3A_428] : memref<25600xi32, #tpu.memory_space<vmem>> -> memref<256xi32, #tpu.memory_space<vmem>>
      %dma_start3A_435 = arith.constant 0 : i32
      %dma_start3A_436 = arith.constant 0 : i32
      %dma_start3A_437 = tpu.memref_slice %arg2[%dma_start3A_435, %dma_start3A_436] : memref<1000000x64xf32, #tpu.memory_space<hbm>> -> memref<1000000x64xf32, #tpu.memory_space<hbm>>
      tpu.enqueue_indirect_dma source(%dma_start3A_437 : memref<1000000x64xf32, #tpu.memory_space<hbm>>) target(%dma_start3A_433 : memref<256x64xf32, #tpu.memory_space<vmem>>) offsets(%dma_start3A_434 : memref<256xi32, #tpu.memory_space<vmem>>) semaphore(%arg10 : memref<!tpu.dma_semaphore, #tpu.memory_space<semaphore_mem>>)
    }
    %scan3A_70 = arith.constant 24 : i32
    %dma_wait3A_71 = arith.constant 1 : i32
    %dma_wait3A_72 = arith.constant 0 : i32
    %dma_wait3A_73 = arith.constant 0 : i32
    %dma_wait3A_74 = tpu.memref_slice %arg6[%dma_wait3A_71, %dma_wait3A_72, %dma_wait3A_73] : memref<4x256x64xf32, #tpu.memory_space<vmem>> -> memref<1x256x64xf32, #tpu.memory_space<vmem>>
    %dma_wait3A_75 = tpu.memref_squeeze %dma_wait3A_74 : memref<1x256x64xf32, #tpu.memory_space<vmem>> -> memref<256x64xf32, #tpu.memory_space<vmem>>
    %dma_wait3A_76 = arith.constant 0 : i32
    %dma_wait3A_77 = tpu.memref_slice %arg5[%dma_wait3A_76] : memref<25600xi32, #tpu.memory_space<vmem>> -> memref<256xi32, #tpu.memory_space<vmem>>
    %dma_wait3A_78 = arith.constant 0 : i32
    %dma_wait3A_79 = arith.constant 0 : i32
    %dma_wait3A_80 = tpu.memref_slice %arg2[%dma_wait3A_78, %dma_wait3A_79] : memref<1000000x64xf32, #tpu.memory_space<hbm>> -> memref<1000000x64xf32, #tpu.memory_space<hbm>>
    tpu.wait_indirect_dma semaphore(%arg8 : memref<!tpu.dma_semaphore, #tpu.memory_space<semaphore_mem>>) src(%dma_wait3A_80 : memref<1000000x64xf32, #tpu.memory_space<hbm>>) dst(%dma_wait3A_75 : memref<256x64xf32, #tpu.memory_space<vmem>>)
    %add3A_81 = arith.constant 24832 : i32
    %add3A_82 = arith.addi %multiple_of3A, %add3A_81 : i32
    %dma_start3A_83 = arith.constant 1 : i32
    %dma_start3A_84 = arith.constant 0 : i32
    %dma_start3A_85 = arith.constant 0 : i32
    %dma_start3A_86 = tpu.memref_slice %arg6[%dma_start3A_83, %dma_start3A_84, %dma_start3A_85] : memref<4x256x64xf32, #tpu.memory_space<vmem>> -> memref<1x256x64xf32, #tpu.memory_space<vmem>>
    %dma_start3A_87 = tpu.memref_squeeze %dma_start3A_86 : memref<1x256x64xf32, #tpu.memory_space<vmem>> -> memref<256x64xf32, #tpu.memory_space<vmem>>
    %dma_start3A_88 = arith.constant 0 : i32
    %dma_start3A_89 = tpu.memref_slice %arg4[%add3A_82, %dma_start3A_88] : memref<819200x64xf32, #tpu.memory_space<hbm>> -> memref<256x64xf32, #tpu.memory_space<hbm>>
    %dma_start3A_90 = arith.constant 0 : i32
    %dma_start3A_91 = tpu.memref_slice %arg4[%add3A_82, %dma_start3A_90] : memref<819200x64xf32, #tpu.memory_space<hbm>> -> memref<256x64xf32, #tpu.memory_space<hbm>>
    %dma_start3A_92 = arith.constant 0 : i32
    %dma_start3A_93 = arith.constant 0 : i32
    %dma_start3A_94 = tpu.memref_slice %arg6[%dma_start3A_83, %dma_start3A_92, %dma_start3A_93] : memref<4x256x64xf32, #tpu.memory_space<vmem>> -> memref<1x256x64xf32, #tpu.memory_space<vmem>>
    %dma_start3A_95 = tpu.memref_squeeze %dma_start3A_94 : memref<1x256x64xf32, #tpu.memory_space<vmem>> -> memref<256x64xf32, #tpu.memory_space<vmem>>
    tpu.enqueue_dma source(%dma_start3A_95 : memref<256x64xf32, #tpu.memory_space<vmem>>) target(%dma_start3A_91 : memref<256x64xf32, #tpu.memory_space<hbm>>) target_semaphore(%arg12 : memref<!tpu.dma_semaphore, #tpu.memory_space<semaphore_mem>>)
    %dma_wait3A_96 = arith.constant 2 : i32
    %dma_wait3A_97 = arith.constant 0 : i32
    %dma_wait3A_98 = arith.constant 0 : i32
    %dma_wait3A_99 = tpu.memref_slice %arg6[%dma_wait3A_96, %dma_wait3A_97, %dma_wait3A_98] : memref<4x256x64xf32, #tpu.memory_space<vmem>> -> memref<1x256x64xf32, #tpu.memory_space<vmem>>
    %dma_wait3A_100 = tpu.memref_squeeze %dma_wait3A_99 : memref<1x256x64xf32, #tpu.memory_space<vmem>> -> memref<256x64xf32, #tpu.memory_space<vmem>>
    %dma_wait3A_101 = arith.constant 0 : i32
    %dma_wait3A_102 = tpu.memref_slice %arg5[%dma_wait3A_101] : memref<25600xi32, #tpu.memory_space<vmem>> -> memref<256xi32, #tpu.memory_space<vmem>>
    %dma_wait3A_103 = arith.constant 0 : i32
    %dma_wait3A_104 = arith.constant 0 : i32
    %dma_wait3A_105 = tpu.memref_slice %arg2[%dma_wait3A_103, %dma_wait3A_104] : memref<1000000x64xf32, #tpu.memory_space<hbm>> -> memref<1000000x64xf32, #tpu.memory_space<hbm>>
    tpu.wait_indirect_dma semaphore(%arg9 : memref<!tpu.dma_semaphore, #tpu.memory_space<semaphore_mem>>) src(%dma_wait3A_105 : memref<1000000x64xf32, #tpu.memory_space<hbm>>) dst(%dma_wait3A_100 : memref<256x64xf32, #tpu.memory_space<vmem>>)
    %add3A_106 = arith.constant 25088 : i32
    %add3A_107 = arith.addi %multiple_of3A, %add3A_106 : i32
    %dma_start3A_108 = arith.constant 2 : i32
    %dma_start3A_109 = arith.constant 0 : i32
    %dma_start3A_110 = arith.constant 0 : i32
    %dma_start3A_111 = tpu.memref_slice %arg6[%dma_start3A_108, %dma_start3A_109, %dma_start3A_110] : memref<4x256x64xf32, #tpu.memory_space<vmem>> -> memref<1x256x64xf32, #tpu.memory_space<vmem>>
    %dma_start3A_112 = tpu.memref_squeeze %dma_start3A_111 : memref<1x256x64xf32, #tpu.memory_space<vmem>> -> memref<256x64xf32, #tpu.memory_space<vmem>>
    %dma_start3A_113 = arith.constant 0 : i32
    %dma_start3A_114 = tpu.memref_slice %arg4[%add3A_107, %dma_start3A_113] : memref<819200x64xf32, #tpu.memory_space<hbm>> -> memref<256x64xf32, #tpu.memory_space<hbm>>
    %dma_start3A_115 = arith.constant 0 : i32
    %dma_start3A_116 = tpu.memref_slice %arg4[%add3A_107, %dma_start3A_115] : memref<819200x64xf32, #tpu.memory_space<hbm>> -> memref<256x64xf32, #tpu.memory_space<hbm>>
    %dma_start3A_117 = arith.constant 0 : i32
    %dma_start3A_118 = arith.constant 0 : i32
    %dma_start3A_119 = tpu.memref_slice %arg6[%dma_start3A_108, %dma_start3A_117, %dma_start3A_118] : memref<4x256x64xf32, #tpu.memory_space<vmem>> -> memref<1x256x64xf32, #tpu.memory_space<vmem>>
    %dma_start3A_120 = tpu.memref_squeeze %dma_start3A_119 : memref<1x256x64xf32, #tpu.memory_space<vmem>> -> memref<256x64xf32, #tpu.memory_space<vmem>>
    tpu.enqueue_dma source(%dma_start3A_120 : memref<256x64xf32, #tpu.memory_space<vmem>>) target(%dma_start3A_116 : memref<256x64xf32, #tpu.memory_space<hbm>>) target_semaphore(%arg13 : memref<!tpu.dma_semaphore, #tpu.memory_space<semaphore_mem>>)
    %dma_wait3A_121 = arith.constant 3 : i32
    %dma_wait3A_122 = arith.constant 0 : i32
    %dma_wait3A_123 = arith.constant 0 : i32
    %dma_wait3A_124 = tpu.memref_slice %arg6[%dma_wait3A_121, %dma_wait3A_122, %dma_wait3A_123] : memref<4x256x64xf32, #tpu.memory_space<vmem>> -> memref<1x256x64xf32, #tpu.memory_space<vmem>>
    %dma_wait3A_125 = tpu.memref_squeeze %dma_wait3A_124 : memref<1x256x64xf32, #tpu.memory_space<vmem>> -> memref<256x64xf32, #tpu.memory_space<vmem>>
    %dma_wait3A_126 = arith.constant 0 : i32
    %dma_wait3A_127 = tpu.memref_slice %arg5[%dma_wait3A_126] : memref<25600xi32, #tpu.memory_space<vmem>> -> memref<256xi32, #tpu.memory_space<vmem>>
    %dma_wait3A_128 = arith.constant 0 : i32
    %dma_wait3A_129 = arith.constant 0 : i32
    %dma_wait3A_130 = tpu.memref_slice %arg2[%dma_wait3A_128, %dma_wait3A_129] : memref<1000000x64xf32, #tpu.memory_space<hbm>> -> memref<1000000x64xf32, #tpu.memory_space<hbm>>
    tpu.wait_indirect_dma semaphore(%arg10 : memref<!tpu.dma_semaphore, #tpu.memory_space<semaphore_mem>>) src(%dma_wait3A_130 : memref<1000000x64xf32, #tpu.memory_space<hbm>>) dst(%dma_wait3A_125 : memref<256x64xf32, #tpu.memory_space<vmem>>)
    %add3A_131 = arith.constant 25344 : i32
    %add3A_132 = arith.addi %multiple_of3A, %add3A_131 : i32
    %dma_start3A_133 = arith.constant 3 : i32
    %dma_start3A_134 = arith.constant 0 : i32
    %dma_start3A_135 = arith.constant 0 : i32
    %dma_start3A_136 = tpu.memref_slice %arg6[%dma_start3A_133, %dma_start3A_134, %dma_start3A_135] : memref<4x256x64xf32, #tpu.memory_space<vmem>> -> memref<1x256x64xf32, #tpu.memory_space<vmem>>
    %dma_start3A_137 = tpu.memref_squeeze %dma_start3A_136 : memref<1x256x64xf32, #tpu.memory_space<vmem>> -> memref<256x64xf32, #tpu.memory_space<vmem>>
    %dma_start3A_138 = arith.constant 0 : i32
    %dma_start3A_139 = tpu.memref_slice %arg4[%add3A_132, %dma_start3A_138] : memref<819200x64xf32, #tpu.memory_space<hbm>> -> memref<256x64xf32, #tpu.memory_space<hbm>>
    %dma_start3A_140 = arith.constant 0 : i32
    %dma_start3A_141 = tpu.memref_slice %arg4[%add3A_132, %dma_start3A_140] : memref<819200x64xf32, #tpu.memory_space<hbm>> -> memref<256x64xf32, #tpu.memory_space<hbm>>
    %dma_start3A_142 = arith.constant 0 : i32
    %dma_start3A_143 = arith.constant 0 : i32
    %dma_start3A_144 = tpu.memref_slice %arg6[%dma_start3A_133, %dma_start3A_142, %dma_start3A_143] : memref<4x256x64xf32, #tpu.memory_space<vmem>> -> memref<1x256x64xf32, #tpu.memory_space<vmem>>
    %dma_start3A_145 = tpu.memref_squeeze %dma_start3A_144 : memref<1x256x64xf32, #tpu.memory_space<vmem>> -> memref<256x64xf32, #tpu.memory_space<vmem>>
    tpu.enqueue_dma source(%dma_start3A_145 : memref<256x64xf32, #tpu.memory_space<vmem>>) target(%dma_start3A_141 : memref<256x64xf32, #tpu.memory_space<hbm>>) target_semaphore(%arg14 : memref<!tpu.dma_semaphore, #tpu.memory_space<semaphore_mem>>)
    %dma_wait3A_146 = arith.constant 0 : i32
    %dma_wait3A_147 = arith.constant 0 : i32
    %dma_wait3A_148 = arith.constant 0 : i32
    %dma_wait3A_149 = tpu.memref_slice %arg6[%dma_wait3A_146, %dma_wait3A_147, %dma_wait3A_148] : memref<4x256x64xf32, #tpu.memory_space<vmem>> -> memref<1x256x64xf32, #tpu.memory_space<vmem>>
    %dma_wait3A_150 = tpu.memref_squeeze %dma_wait3A_149 : memref<1x256x64xf32, #tpu.memory_space<vmem>> -> memref<256x64xf32, #tpu.memory_space<vmem>>
    %dma_wait3A_151 = arith.constant 0 : i32
    %dma_wait3A_152 = tpu.memref_slice %arg4[%multiple_of3A, %dma_wait3A_151] : memref<819200x64xf32, #tpu.memory_space<hbm>> -> memref<256x64xf32, #tpu.memory_space<hbm>>
    %dma_wait3A_153 = arith.constant 0 : i32
    %dma_wait3A_154 = tpu.memref_slice %arg4[%multiple_of3A, %dma_wait3A_153] : memref<819200x64xf32, #tpu.memory_space<hbm>> -> memref<256x64xf32, #tpu.memory_space<hbm>>
    %dma_wait3A_155 = arith.constant 0 : i32
    %dma_wait3A_156 = arith.constant 0 : i32
    %dma_wait3A_157 = tpu.memref_slice %arg6[%dma_wait3A_146, %dma_wait3A_155, %dma_wait3A_156] : memref<4x256x64xf32, #tpu.memory_space<vmem>> -> memref<1x256x64xf32, #tpu.memory_space<vmem>>
    %dma_wait3A_158 = tpu.memref_squeeze %dma_wait3A_157 : memref<1x256x64xf32, #tpu.memory_space<vmem>> -> memref<256x64xf32, #tpu.memory_space<vmem>>
    tpu.wait_dma2 semaphore(%arg11 : memref<!tpu.dma_semaphore, #tpu.memory_space<semaphore_mem>>) src(%dma_wait3A_158 : memref<256x64xf32, #tpu.memory_space<vmem>>) dst(%dma_wait3A_154 : memref<256x64xf32, #tpu.memory_space<hbm>>)
    %dma_wait3A_159 = arith.constant 1 : i32
    %dma_wait3A_160 = arith.constant 0 : i32
    %dma_wait3A_161 = arith.constant 0 : i32
    %dma_wait3A_162 = tpu.memref_slice %arg6[%dma_wait3A_159, %dma_wait3A_160, %dma_wait3A_161] : memref<4x256x64xf32, #tpu.memory_space<vmem>> -> memref<1x256x64xf32, #tpu.memory_space<vmem>>
    %dma_wait3A_163 = tpu.memref_squeeze %dma_wait3A_162 : memref<1x256x64xf32, #tpu.memory_space<vmem>> -> memref<256x64xf32, #tpu.memory_space<vmem>>
    %dma_wait3A_164 = arith.constant 0 : i32
    %dma_wait3A_165 = tpu.memref_slice %arg4[%multiple_of3A, %dma_wait3A_164] : memref<819200x64xf32, #tpu.memory_space<hbm>> -> memref<256x64xf32, #tpu.memory_space<hbm>>
    %dma_wait3A_166 = arith.constant 0 : i32
    %dma_wait3A_167 = tpu.memref_slice %arg4[%multiple_of3A, %dma_wait3A_166] : memref<819200x64xf32, #tpu.memory_space<hbm>> -> memref<256x64xf32, #tpu.memory_space<hbm>>
    %dma_wait3A_168 = arith.constant 0 : i32
    %dma_wait3A_169 = arith.constant 0 : i32
    %dma_wait3A_170 = tpu.memref_slice %arg6[%dma_wait3A_159, %dma_wait3A_168, %dma_wait3A_169] : memref<4x256x64xf32, #tpu.memory_space<vmem>> -> memref<1x256x64xf32, #tpu.memory_space<vmem>>
    %dma_wait3A_171 = tpu.memref_squeeze %dma_wait3A_170 : memref<1x256x64xf32, #tpu.memory_space<vmem>> -> memref<256x64xf32, #tpu.memory_space<vmem>>
    tpu.wait_dma2 semaphore(%arg12 : memref<!tpu.dma_semaphore, #tpu.memory_space<semaphore_mem>>) src(%dma_wait3A_171 : memref<256x64xf32, #tpu.memory_space<vmem>>) dst(%dma_wait3A_167 : memref<256x64xf32, #tpu.memory_space<hbm>>)
    %dma_wait3A_172 = arith.constant 2 : i32
    %dma_wait3A_173 = arith.constant 0 : i32
    %dma_wait3A_174 = arith.constant 0 : i32
    %dma_wait3A_175 = tpu.memref_slice %arg6[%dma_wait3A_172, %dma_wait3A_173, %dma_wait3A_174] : memref<4x256x64xf32, #tpu.memory_space<vmem>> -> memref<1x256x64xf32, #tpu.memory_space<vmem>>
    %dma_wait3A_176 = tpu.memref_squeeze %dma_wait3A_175 : memref<1x256x64xf32, #tpu.memory_space<vmem>> -> memref<256x64xf32, #tpu.memory_space<vmem>>
    %dma_wait3A_177 = arith.constant 0 : i32
    %dma_wait3A_178 = tpu.memref_slice %arg4[%multiple_of3A, %dma_wait3A_177] : memref<819200x64xf32, #tpu.memory_space<hbm>> -> memref<256x64xf32, #tpu.memory_space<hbm>>
    %dma_wait3A_179 = arith.constant 0 : i32
    %dma_wait3A_180 = tpu.memref_slice %arg4[%multiple_of3A, %dma_wait3A_179] : memref<819200x64xf32, #tpu.memory_space<hbm>> -> memref<256x64xf32, #tpu.memory_space<hbm>>
    %dma_wait3A_181 = arith.constant 0 : i32
    %dma_wait3A_182 = arith.constant 0 : i32
    %dma_wait3A_183 = tpu.memref_slice %arg6[%dma_wait3A_172, %dma_wait3A_181, %dma_wait3A_182] : memref<4x256x64xf32, #tpu.memory_space<vmem>> -> memref<1x256x64xf32, #tpu.memory_space<vmem>>
    %dma_wait3A_184 = tpu.memref_squeeze %dma_wait3A_183 : memref<1x256x64xf32, #tpu.memory_space<vmem>> -> memref<256x64xf32, #tpu.memory_space<vmem>>
    tpu.wait_dma2 semaphore(%arg13 : memref<!tpu.dma_semaphore, #tpu.memory_space<semaphore_mem>>) src(%dma_wait3A_184 : memref<256x64xf32, #tpu.memory_space<vmem>>) dst(%dma_wait3A_180 : memref<256x64xf32, #tpu.memory_space<hbm>>)
    %dma_wait3A_185 = arith.constant 3 : i32
    %dma_wait3A_186 = arith.constant 0 : i32
    %dma_wait3A_187 = arith.constant 0 : i32
    %dma_wait3A_188 = tpu.memref_slice %arg6[%dma_wait3A_185, %dma_wait3A_186, %dma_wait3A_187] : memref<4x256x64xf32, #tpu.memory_space<vmem>> -> memref<1x256x64xf32, #tpu.memory_space<vmem>>
    %dma_wait3A_189 = tpu.memref_squeeze %dma_wait3A_188 : memref<1x256x64xf32, #tpu.memory_space<vmem>> -> memref<256x64xf32, #tpu.memory_space<vmem>>
    %dma_wait3A_190 = arith.constant 0 : i32
    %dma_wait3A_191 = tpu.memref_slice %arg4[%multiple_of3A, %dma_wait3A_190] : memref<819200x64xf32, #tpu.memory_space<hbm>> -> memref<256x64xf32, #tpu.memory_space<hbm>>
    %dma_wait3A_192 = arith.constant 0 : i32
    %dma_wait3A_193 = tpu.memref_slice %arg4[%multiple_of3A, %dma_wait3A_192] : memref<819200x64xf32, #tpu.memory_space<hbm>> -> memref<256x64xf32, #tpu.memory_space<hbm>>
    %dma_wait3A_194 = arith.constant 0 : i32
    %dma_wait3A_195 = arith.constant 0 : i32
    %dma_wait3A_196 = tpu.memref_slice %arg6[%dma_wait3A_185, %dma_wait3A_194, %dma_wait3A_195] : memref<4x256x64xf32, #tpu.memory_space<vmem>> -> memref<1x256x64xf32, #tpu.memory_space<vmem>>
    %dma_wait3A_197 = tpu.memref_squeeze %dma_wait3A_196 : memref<1x256x64xf32, #tpu.memory_space<vmem>> -> memref<256x64xf32, #tpu.memory_space<vmem>>
    tpu.wait_dma2 semaphore(%arg14 : memref<!tpu.dma_semaphore, #tpu.memory_space<semaphore_mem>>) src(%dma_wait3A_197 : memref<256x64xf32, #tpu.memory_space<vmem>>) dst(%dma_wait3A_193 : memref<256x64xf32, #tpu.memory_space<hbm>>)
    return
  }
}

</mosaic_0001>

<sc_bundles>
// kernel: _gather.3.cloned.1.call-start
scs
__scs_entry_jumppad:
0x0: {  	(pc) =	sbr.rel $0x88, $3  }
0x1: {  	(tag) =	ssettag $0x0;
	lr =	simm.s32 $0x1  }
0x2: {  	[smem:$0x3F9F] =	sst lr;
	_ =	strace $0xD0000000  }
0x3: {  	_ = 	snop  }
0x4: {  	_ = 	snop  }
0x5: {  	_ = 	snop  }
0x6: {  	_ = 	snop  }
0x7: {  	_ = 	snop  }
__scs_overlays_trampoline_lowered:
0x8: {  	[smem:$0x3FAE] =	sst s0  }
0x9: {  	[smem:$0x3FAF] =	sst s1  }
0xa: {  	[smem:$0x3FB0] =	sst s2  }
0xb: {  	[smem:$0x3FB1] =	sst s3  }
0xc: {  	[smem:$0x3FB2] =	sst s4  }
0xd: {  	[smem:$0x3FB3] =	sst s5  }
0xe: {  	[smem:$0x3FB4] =	sst s6  }
0xf: {  	[smem:$0x3FB5] =	sst s7  }
0x10: {  	[smem:$0x3FB6] =	sst s8  }
0x11: {  	[smem:$0x3FB7] =	sst s9;
	s0 =	simm.s32 @!p0 $0x0  }
0x12: {  	s1 =	sld [smem:$0x3F9D];
	s0 =	simm.s32 @p0 $0x1  }
0x13: {  	[smem:$0x3FB8] =	sst s0;
	s0 =	simm.s32 @!p1 $0x0  }
0x14: {  	s2 =	sld [smem:$0x3F9C];
	s0 =	simm.s32 @p1 $0x1  }
0x15: {  	[smem:$0x3FB9] =	sst s0;
	s0 =	simm.s32 @!p2 $0x0  }
0x16: {  	s3 =	sld [smem:$0x3FDB];
	s0 =	simm.s32 @p2 $0x1  }
0x17: {  	s4 =	simm.s32 $0x1BF5;
	[smem:$0x3FBB] =	sst s0  }
0x18: {  	s0 =	sld [smem:$0x3F9E];
	_ =	swait.ge [sflag:s4], $0x0  }
0x19: {  	s7 =	sld [smem:$0x3F9F]  }
0x1a: {  	s8 =	sadd.s32 $0xFFFFE003, lr  }
0x1b: {  	s9 =	sadd.s32 $0xFFFFFEF7, lr;
	s5 =	simm.s32 $0xFFFFFFFF;
	p2 =	slt.u32 s8, $0xFFFFF086  }
0x1c: {  	p1 =	slt.u32 s9, $0xF7A;
	s5 =	simm.s32 @!p2 $0x0  }
0x1d: {  	s5 =	simm.s32 @p1 $0x1;
	p0 =	seq.s32 s7, s2  }
0x1e: {  	s7 =	smul.u32 @!p0 $0xF7A, s2;
	p2 =	seq.s32 @!p0 s5, $0x0  }
0x1f: {  	s9 =	smul.u32 $0xF7A, s1;
	s8 =	simm.s32 @!p0 $0x1BF5;
	p2 =	por !p2, p0  }
0x20: {  	[sflag:s8] =	ssyncset.s32 @!p0 $0xFFFFF086;
	s6 =	sadd.s32 @!p0 s3, s7;
	s7 =	simm.s32 @!p0 $0x108  }
0x21: {  	s3 =	sadd.s32 s3, s9;
	s6 =	sadd.s32 @!p0 $0x88, s6;
	s7 =	simm.s32 @p2 $0x1082  }
0x22: {  	[simem:s7], [sflag:s8] =	dma.local @!p0 [hbm:s6], $0xF7A  }
0x23: {  	s9 =	sor.u32 $0xD0000000, s2;
	s6 =	simm.s32 $0x108;
	_ =	swait.ge @!p0 [sflag:s8], $0x0  }
0x24: {  	s3 =	sadd.s32 $0x88, s3;
	s6 =	simm.s32 @!p1 $0x1082;
	[sflag:s4] =	ssyncset.s32 $0xFFFFF086  }
0x25: {  	[simem:s6], [sflag:s4] =	dma.local [hbm:s3], $0xF7A  }
0x26: {  	[smem:$0x3F9F] =	sst s1;
	(tag) =	ssettag s2;
	_ =	strace s9  }
0x27: {  	s1 =	sld [smem:$0x3FAF]  }
0x28: {  	s2 =	sld [smem:$0x3FB0]  }
0x29: {  	s4 =	sld [smem:$0x3FB2]  }
0x2a: {  	p0 =	seq.s32 s5, $0x0;
	s5 =	sld [smem:$0x3FB3]  }
0x2b: {  	s6 =	sld [smem:$0x3FB4]  }
0x2c: {  	s7 =	sld [smem:$0x3FB5]  }
0x2d: {  	s3 =	simm.s32 $0x108;
	s8 =	sld [smem:$0x3FB6]  }
0x2e: {  	s3 =	simm.s32 @!p0 $0x1082;
	s9 =	sld [smem:$0x3FB7]  }
0x2f: {  	lr =	sadd.s32 s0, s3;
	s0 =	sld [smem:$0x3FAE]  }
0x30: {  	s3 =	sld [smem:$0x3FB1]  }
0x31: {  	[smem:$0x3FBA] =	sst s10  }
0x32: {  	s10 =	sld [smem:$0x3FB8];
	_ =	sdelay $0x3  }
0x33: {  	p0 =	seq.s32 s10, $0x1;
	s10 =	sld [smem:$0x3FBA];
	_ =	sdelay $0x3  }
0x34: {  	[smem:$0x3FBA] =	sst s10  }
0x35: {  	s10 =	sld [smem:$0x3FB9];
	_ =	sdelay $0x3  }
0x36: {  	p1 =	seq.s32 s10, $0x1;
	s10 =	sld [smem:$0x3FBA];
	_ =	sdelay $0x3  }
0x37: {  	[smem:$0x3FBA] =	sst s10  }
0x38: {  	s10 =	sld [smem:$0x3FBB]  }
0x39: {  	_ = 	snop;
	(pc) =	sbr.ind lr, $3  }
0x3a: {  	_ = 	snop  }
0x3b: {  	_ = 	snop  }
0x3c: {  	p2 =	seq.s32 s10, $0x1;
	s10 =	sld [smem:$0x3FBA]  }
0x3d: {  	_ =	shalt  }
0x3e: {  	_ =	shalt  }
0x3f: {  	_ =	shalt  }
0x40: {  	_ =	shalt  }
0x41: {  	_ =	shalt  }
0x42: {  	_ =	shalt  }
0x43: {  	_ =	shalt  }
0x44: {  	_ =	shalt  }
0x45: {  	_ =	shalt  }
0x46: {  	_ =	shalt  }
0x47: {  	_ =	shalt  }
0x48: {  	_ =	shalt  }
0x49: {  	_ =	shalt  }
0x4a: {  	_ =	shalt  }
0x4b: {  	_ =	shalt  }
0x4c: {  	_ =	shalt  }
0x4d: {  	_ =	shalt  }
0x4e: {  	_ =	shalt  }
0x4f: {  	_ =	shalt  }
0x50: {  	_ =	shalt  }
0x51: {  	_ =	shalt  }
0x52: {  	_ =	shalt  }
0x53: {  	_ =	shalt  }
0x54: {  	_ =	shalt  }
0x55: {  	_ =	shalt  }
0x56: {  	_ =	shalt  }
0x57: {  	_ =	shalt  }
0x58: {  	_ =	shalt  }
0x59: {  	_ =	shalt  }
0x5a: {  	_ =	shalt  }
0x5b: {  	_ =	shalt  }
0x5c: {  	_ =	shalt  }
0x5d: {  	_ =	shalt  }
0x5e: {  	_ =	shalt  }
0x5f: {  	_ =	shalt  }
0x60: {  	_ =	shalt  }
0x61: {  	_ =	shalt  }
0x62: {  	_ =	shalt  }
0x63: {  	_ =	shalt  }
0x64: {  	_ =	shalt  }
0x65: {  	_ =	shalt  }
0x66: {  	_ =	shalt  }
0x67: {  	_ =	shalt  }
0x68: {  	_ =	shalt  }
0x69: {  	_ =	shalt  }
0x6a: {  	_ =	shalt  }
0x6b: {  	_ =	shalt  }
0x6c: {  	_ =	shalt  }
0x6d: {  	_ =	shalt  }
0x6e: {  	_ =	shalt  }
0x6f: {  	_ =	shalt  }
0x70: {  	_ =	shalt  }
0x71: {  	_ =	shalt  }
0x72: {  	_ =	shalt  }
0x73: {  	_ =	shalt  }
0x74: {  	_ =	shalt  }
0x75: {  	_ =	shalt  }
0x76: {  	_ =	shalt  }
0x77: {  	_ =	shalt  }
0x78: {  	_ =	shalt  }
0x79: {  	_ =	shalt  }
0x7a: {  	_ =	shalt  }
0x7b: {  	_ =	shalt  }
0x7c: {  	_ =	shalt  }
0x7d: {  	_ =	shalt  }
0x7e: {  	_ =	shalt  }
0x7f: {  	_ =	shalt  }
0x80: {  	_ =	shalt  }
0x81: {  	_ =	shalt  }
0x82: {  	_ =	shalt  }
0x83: {  	_ =	shalt  }
0x84: {  	_ =	shalt  }
0x85: {  	_ =	shalt  }
0x86: {  	_ =	shalt  }
0x87: {  	_ =	shalt  }
.Lfunc_end0:
.L_simem_size_0:
called_computation.1_lowered:
.L_overlay_start_0:
0x88: {  	s2 =	sld [smem:$0x3FD9]  }
0x89: {  	s3 =	sld [smem:$0x3FFE];
	_ =	sdelay $0x1  }
0x8a: {  	s1 =	srdreg.scid  }
0x8b: {  	s0 =	sand.u32 $0x1, s1  }
0x8c: {  	s17 =	sshll.u32 s0, $0xA;
	s2 =	sadd.s32 s3, s2  }
0x8d: {  	s2 =	sadd.s32 s2, s17  }
0x8e: {  	[smem:$0x3FC6] =	sst s2  }
0x8f: {  	_ = 	snop  }
0x90: {  	s2 =	sld [smem:$0x3FC8]  }
0x91: {  	s18 =	sld [smem:$0x3FD0];
	(tm) =	ssettm $0x1  }
0x92: {  	s4 =	sld [smem:$0x3FFB];
	_ =	sdelay $0x3  }
0x93: {  	_ =	strace s4  }
0x94: {  	s4 =	sld [smem:$0x3FFC];
	_ =	sdelay $0x3  }
0x95: {  	_ =	strace s4  }
0x96: {  	s4 =	sld [smem:$0x3FFD];
	_ =	sdelay $0x3  }
0x97: {  	_ =	strace s4  }
0x98: {  	_ =	strace $0x8FFFFFFF  }
0x99: {  	s19 =	sld [smem:$0x3FDB];
	_ =	sdelay $0x1  }
0x9a: {  	s5 =	simm.s32 $_scs_section_size  }
0x9b: {  	s6 =	simm.s32 $_size__tile_overlayer_lowered;
	s7 =	simm.s32 $_tile_overlayer_lowered  }
0x9c: {  	s22 =	simm.s32 $0x1BFF;
	s21 =	sshll.u32 s7, $0x1;
	s4 =	sadd.s32 s5, s19  }
0x9d: {  	s8 =	simm.s32 $0x0;
	s20 =	sshll.u32 s6, $0x1;
	s6 =	sadd.s32 s21, s4  }
0x9e: {  	[timem:s8], [sflag:s22] =	dma.local [hbm:s6], s20  }
0x9f: {  	_ =	swait.ge [sflag:s22], s20  }
0xa0: {  	s5 =	ssub.s32 $0x0, s20;
	[sflag:s22] =	ssyncset.done $0x0  }
0xa1: {  	[sflag:s22] =	ssyncadd.s32 s5;
	_ =	sdelay $0x1  }
0xa2: {  	s23 =	simm.s32 $0x1B8B  }
0xa3: {  	_ =	swait.ge [sflag:s23], $0x1  }
0xa4: {  	[sflag:s23] =	ssyncset.done $0x0  }
0xa5: {  	s25 =	simm.s32 $0x1B8E;
	s24 =	sld [smem:$0x3FFE];
	[sflag:s23] =	ssyncadd.s32 $0xFFFFFFFF  }
0xa6: {  	s26 =	simm.s32 $execute0_lowered;
	[smem:$0x3FD2] =	sst s25  }
0xa7: {  	s6 =	sshll.u32 s26, $0x1;
	_ =	strace $0x80000046;
	[dreg:$0x1] =	wrdreg $0xFFFFFFFF  }
0xa8: {  	s28 =	simm.s32 $_size_execute0_lowered;
	s4 =	sadd.s32 s4, s6;
	[dreg:$0x0] =	wrdreg $0x0  }
0xa9: {  	s6 =	sshll.u32 s28, $0x1;
	[dreg:$0x2] =	wrdreg s4  }
0xaa: {  	[dreg:$0x3] =	wrdreg s6  }
0xab: {  	[dreg:$0x4] =	wrdreg $0xC0  }
0xac: {  	_ =	task [dreg:s8], $0x5FFFF  }
0xad: {  	[dreg:$0x1] =	wrdreg $0xFFFFFFFF  }
0xae: {  	[dreg:$0x0] =	wrdreg $0x60  }
0xaf: {  	[dreg:$0x2] =	wrdreg s24  }
0xb0: {  	[dreg:$0x3] =	wrdreg s2  }
0xb1: {  	[dreg:$0x4] =	wrdreg s18  }
0xb2: {  	[dreg:$0x5] =	wrdreg $0x9  }
0xb3: {  	_ =	task.clear_ibuf [dreg:s8], $0x6FFFF;
	_ =	strace $0x90000046  }
0xb4: {  	s29 =	simm.s32 $0x9;
	_ =	strace $0x80000048  }
0xb5: {  	_ =	swait.ge [sflag:s29], $0x1  }
0xb6: {  	[sflag:s29] =	ssyncadd.s32 $0xFFFFFFFF  }
0xb7: {  	_ =	strace $0x90000048  }
0xb8: {  	_ =	sfence  }
0xb9: {  	s30 =	sld [smem:$0x0];
	_ =	sdelay $0x2  }
0xba: {  	s31 =	sshll.u32 s1, $0xD;
	s1 =	sshrl.u32 s1, $0x2  }
0xbb: {  	s3 =	sand.u32 $0x4000, s31;
	s1 =	sadd.s32 s1, s30  }
0xbc: {  	s0 =	sor.u32 s3, s0;
	s1 =	sshll.u32 s1, $0x11  }
0xbd: {  	s0 =	sor.u32 s1, s0  }
0xbe: {  	s0 =	sadd.s32 $0x8F2B, s0  }
0xbf: {  	[sflag:s0] =	ssyncadd.remote.s32 $0x1  }
0xc0: {  	_ =	sfence.sel $0xFFFF  }
0xc1: {  	[dreg:$0x0] =	wrdreg $0xFFFFFFFF;
	(pc) =	sbr.abs _section_cstart, $3  }
0xc2: {  	[dreg:$0x1] =	wrdreg $0xFFFFFFFF  }
0xc3: {  	_ =	task.clear_ibuf [dreg:s8], $0x2FFFF;
	_ =	strace $0x9FFFFFFF  }
0xc4: {  	(tm) =	ssettm $0x7FFFFFFF  }
0xc5: {  	_ =	shalt  }
tec
execute0_lowered:
.L_overlay_start_1:
0x0: {  	(tag) =	ssettag $0x1  }
0x1: {  	s0 =	rddreg [dreg:$0x0]  }
0x2: {  	s1 =	srdreg.scid;
	s4 =	rddreg [dreg:$0x1]  }
0x3: {  	s9 =	stileid.u32;
	s5 =	rddreg [dreg:$0x2];
	s14 =	simm.s32 $0x9  }
0x4: {  	s15 =	simm.s32 $0x100;
	s16 =	simm.s32 $0x6400;
	s17 =	simm.s32 $0xA400  }
0x5: {  	s19 =	simm.s32 $0xE400;
	s20 =	simm.s32 $0x1;
	s28 =	simm.s32 $0x4  }
0x6: {  	s1 =	sand.u32 $0x1, s1;
	s2 =	sshll.u32 s9, $0x1;
	s9 =	smul.u32 $0xC800, s9  }
0x7: {  	s3 =	sor.u32 s1, s2;
	s22 =	ssub.s32 $0x2, s1;
	s1 =	smul.u32 $0x6400, s1  }
0x8: {  	s29 =	simm.s32 $0x7;
	s30 =	simm.s32 $0x8;
	s6 =	smul.u32 $0x6400, s3  }
0x9: {  	s31 =	simm.s32 $0x0;
	s2 =	simm.s32 $0x0;
	s7 =	smul.u32 $0x32000, s3  }
0xa: {  	[smem:$0x7FF] =	sst s2;
	s8 =	smul.u32 $0x190000, s3;
	s10 =	sshrl.u32 s22, $0x1  }
0xb: {  	s3 =	sadd.s32 $0xF42C00, s0;
	_ =	strace $0x80000047;
	s0 =	ssub.s32 s22, s10  }
0xc: {  	s1 =	sadd.s32 s1, s9;
	s22 =	simm.s32 $0x12400;
	s6 =	sshrl.u32 s6, $0x3  }
0xd: {  	s23 =	sshrl.u32 s8, $0x3;
	s24 =	sadd.s32 s5, s7;
	s1 =	sshll.u32 s1, $0x3  }
0xe: {  	s9 =	smax.u32 s0, $0x1;
	s4 =	sadd.s32 s4, s6;
	[dreg:$0x5] =	wrdreg s24  }
0xf: {  	s26 =	sadd.s32 s5, s1;
	s24 =	simm.s32 $0x5;
	[dreg:$0x4] =	wrdreg s4  }
0x10: {  	s4 =	sadd.s32 s5, s23;
	s10 =	sadd.s32 $0x1800, s26;
	s11 =	sadd.s32 $0x1000, s26  }
0x11: {  	s12 =	sadd.s32 $0x800, s26;
	s13 =	sadd.s32 $0x2000, s26;
	s23 =	simm.s32 $0x2  }
0x12: {  	s26 =	simm.s32 $0x6;
	s25 =	sadd.s32 $0x30800, s4;
	s7 =	sadd.s32 $0x31000, s4  }
0x13: {  	s8 =	sadd.s32 $0x31800, s4;
	[dreg:$0x6] =	wrdreg s25;
	s25 =	simm.s32 $0x3  }
.LBB2_1:
0x14: {  	s0 =	rddreg [dreg:$0x4]  }
0x15: {  	[tilespmem:s2], [sflag:$0x9] =	stream.linear.gather [hbm4b:s0+s2], $0x6400, $0x38;
	[tilespmem:$0x16400] =	vst v63  }
0x16: {  	_ =	swait.ge [sflag:s14], $0x6400  }
0x17: {  	[sflag:s14] =	ssyncset.done $0x0  }
0x18: {  	[sflag:s14] =	ssyncadd.s32 $0xFFFF9C00  }
0x19: {  	[tilespmem:s16], [sflag:$0x1] =	stream.indirect.gather [hbm4b:s3+s15], $0x40, s2, s15, $0xb8;
	[tilespmem:$0x16400] =	vst v63  }
0x1a: {  	_ = 	snop  }
0x1b: {  	[tilespmem:s17], [sflag:$0x2] =	stream.indirect.gather [hbm4b:s3+s15], $0x40, s15, s15, $0xb8;
	[tilespmem:$0x16400] =	vst v63  }
0x1c: {  	s1 =	simm.s32 $0x200  }
0x1d: {  	[tilespmem:s19], [sflag:$0x3] =	stream.indirect.gather [hbm4b:s3+s15], $0x40, s1, s15, $0xb8;
	[tilespmem:$0x16400] =	vst v63  }
0x1e: {  	_ =	swait.ge [sflag:s20], $0x4000  }
0x1f: {  	[sflag:s20] =	ssyncset.done $0x0  }
0x20: {  	s4 =	rddreg [dreg:$0x5];
	[sflag:s20] =	ssyncadd.s32 $0xFFFFC000  }
0x21: {  	[hbm4b:s4+s2] =	stream.linear.scatter [tilespmem:s16], [sflag:$0x5], $0x4000, $0x38;
	[tilespmem:$0x16400] =	vst v63  }
0x22: {  	s5 =	simm.s32 $0x300  }
0x23: {  	[tilespmem:s22], [sflag:$0x4] =	stream.indirect.gather [hbm4b:s3+s15], $0x40, s5, s15, $0xb8;
	[tilespmem:$0x16400] =	vst v63  }
0x24: {  	_ =	swait.ge [sflag:s23], $0x4000  }
0x25: {  	[sflag:s23] =	ssyncset.done $0x0  }
0x26: {  	[sflag:s23] =	ssyncadd.s32 $0xFFFFC000  }
0x27: {  	[hbm4b:s12+s2] =	stream.linear.scatter [tilespmem:s17], [sflag:$0x6], $0x4000, $0x38;
	[tilespmem:$0x16400] =	vst v63  }
0x28: {  	_ =	swait.ge [sflag:s24], $0x4000  }
0x29: {  	[sflag:s24] =	ssyncset.done $0x0  }
0x2a: {  	s6 =	simm.s32 $0x400;
	[sflag:s24] =	ssyncadd.s32 $0xFFFFC000  }
0x2b: {  	[tilespmem:s16], [sflag:$0x1] =	stream.indirect.gather [hbm4b:s3+s15], $0x40, s6, s15, $0xb8;
	[tilespmem:$0x16400] =	vst v63  }
0x2c: {  	_ =	swait.ge [sflag:s25], $0x4000  }
0x2d: {  	[sflag:s25] =	ssyncset.done $0x0  }
0x2e: {  	[sflag:s25] =	ssyncadd.s32 $0xFFFFC000  }
0x2f: {  	[hbm4b:s11+s2] =	stream.linear.scatter [tilespmem:s19], [sflag:$0x7], $0x4000, $0x38;
	[tilespmem:$0x16400] =	vst v63  }
0x30: {  	_ =	swait.ge [sflag:s26], $0x4000  }
0x31: {  	[sflag:s26] =	ssyncset.done $0x0  }
0x32: {  	s18 =	simm.s32 $0x500;
	[sflag:s26] =	ssyncadd.s32 $0xFFFFC000  }
0x33: {  	[tilespmem:s17], [sflag:$0x2] =	stream.indirect.gather [hbm4b:s3+s15], $0x40, s18, s15, $0xb8;
	[tilespmem:$0x16400] =	vst v63  }
0x34: {  	_ =	swait.ge [sflag:s28], $0x4000  }
0x35: {  	[sflag:s28] =	ssyncset.done $0x0  }
0x36: {  	[sflag:s28] =	ssyncadd.s32 $0xFFFFC000  }
0x37: {  	[hbm4b:s10+s2] =	stream.linear.scatter [tilespmem:s22], [sflag:$0x8], $0x4000, $0x38;
	[tilespmem:$0x16400] =	vst v63  }
0x38: {  	_ =	swait.ge [sflag:s29], $0x4000  }
0x39: {  	[sflag:s29] =	ssyncset.done $0x0  }
0x3a: {  	s21 =	simm.s32 $0x600;
	[sflag:s29] =	ssyncadd.s32 $0xFFFFC000  }
0x3b: {  	[tilespmem:s19], [sflag:$0x3] =	stream.indirect.gather [hbm4b:s3+s15], $0x40, s21, s15, $0xb8;
	[tilespmem:$0x16400] =	vst v63  }
0x3c: {  	_ =	swait.ge [sflag:s20], $0x4000  }
0x3d: {  	[sflag:s20] =	ssyncset.done $0x0  }
0x3e: {  	[sflag:s20] =	ssyncadd.s32 $0xFFFFC000  }
0x3f: {  	[hbm4b:s13+s2] =	stream.linear.scatter [tilespmem:s16], [sflag:$0x5], $0x4000, $0x38;
	[tilespmem:$0x16400] =	vst v63  }
0x40: {  	s0 =	sadd.s32 $0x2000, s13;
	s1 =	simm.s32 $0x1000;
	_ =	swait.ge [sflag:s30], $0x4000  }
0x41: {  	s4 =	sadd.s32 $0x2000, s10;
	s5 =	simm.s32 $0x700;
	[sflag:s30] =	ssyncset.done $0x0  }
0x42: {  	s18 =	sadd.s32 $0x2000, s11;
	s21 =	sadd.s32 $0x2000, s12;
	[sflag:s30] =	ssyncadd.s32 $0xFFFFC000  }
.LBB2_2:
0x43: {  	[tilespmem:s22], [sflag:$0x4] =	stream.indirect.gather [hbm4b:s3+s15], $0x40, s5, s15, $0xb8;
	[tilespmem:$0x16400] =	vst v63  }
0x44: {  	s5 =	smov.u32 s1  }
0x45: {  	p0 =	sne.s32 s1, $0x17000;
	s1 =	sadd.s32 $0x1000, s1;
	_ =	swait.ge [sflag:s23], $0x4000  }
0x46: {  	[sflag:s23] =	ssyncset.done $0x0  }
0x47: {  	[sflag:s23] =	ssyncadd.s32 $0xFFFFC000  }
0x48: {  	[hbm4b:s21+s2] =	stream.linear.scatter [tilespmem:s17], [sflag:$0x6], $0x4000, $0x38;
	[tilespmem:$0x16400] =	vst v63  }
0x49: {  	_ =	swait.ge [sflag:s24], $0x4000  }
0x4a: {  	s5 =	sshra.s32 s5, $0x2;
	[sflag:s24] =	ssyncset.done $0x0  }
0x4b: {  	s6 =	sadd.s32 $0x400, s5;
	[sflag:s24] =	ssyncadd.s32 $0xFFFFC000  }
0x4c: {  	[tilespmem:s16], [sflag:$0x1] =	stream.indirect.gather [hbm4b:s3+s15], $0x40, s6, s15, $0xb8;
	[tilespmem:$0x16400] =	vst v63  }
0x4d: {  	_ =	swait.ge [sflag:s25], $0x4000  }
0x4e: {  	[sflag:s25] =	ssyncset.done $0x0  }
0x4f: {  	[sflag:s25] =	ssyncadd.s32 $0xFFFFC000  }
0x50: {  	[hbm4b:s18+s2] =	stream.linear.scatter [tilespmem:s19], [sflag:$0x7], $0x4000, $0x38;
	[tilespmem:$0x16400] =	vst v63  }
0x51: {  	_ =	swait.ge [sflag:s26], $0x4000  }
0x52: {  	[sflag:s26] =	ssyncset.done $0x0  }
0x53: {  	s6 =	sadd.s32 $0x500, s5;
	[sflag:s26] =	ssyncadd.s32 $0xFFFFC000  }
0x54: {  	[tilespmem:s17], [sflag:$0x2] =	stream.indirect.gather [hbm4b:s3+s15], $0x40, s6, s15, $0xb8;
	[tilespmem:$0x16400] =	vst v63  }
0x55: {  	_ =	swait.ge [sflag:s28], $0x4000  }
0x56: {  	[sflag:s28] =	ssyncset.done $0x0  }
0x57: {  	[sflag:s28] =	ssyncadd.s32 $0xFFFFC000  }
0x58: {  	[hbm4b:s4+s2] =	stream.linear.scatter [tilespmem:s22], [sflag:$0x8], $0x4000, $0x38;
	[tilespmem:$0x16400] =	vst v63  }
0x59: {  	_ =	swait.ge [sflag:s29], $0x4000  }
0x5a: {  	[sflag:s29] =	ssyncset.done $0x0  }
0x5b: {  	s6 =	sadd.s32 $0x600, s5;
	[sflag:s29] =	ssyncadd.s32 $0xFFFFC000  }
0x5c: {  	[tilespmem:s19], [sflag:$0x3] =	stream.indirect.gather [hbm4b:s3+s15], $0x40, s6, s15, $0xb8;
	[tilespmem:$0x16400] =	vst v63  }
0x5d: {  	_ =	swait.ge [sflag:s20], $0x4000  }
0x5e: {  	[sflag:s20] =	ssyncset.done $0x0  }
.Ltmp0:
0x5f: {  	[sflag:s20] =	ssyncadd.s32 $0xFFFFC000;
	(pc) =	sbr.rel @p0 .LBB2_2-.Ltmp0, $4  }
0x60: {  	[hbm4b:s0+s2] =	stream.linear.scatter [tilespmem:s16], [sflag:$0x5], $0x4000, $0x38;
	[tilespmem:$0x16400] =	vst v63  }
0x61: {  	s0 =	sadd.s32 $0x2000, s0;
	_ =	swait.ge [sflag:s30], $0x4000  }
0x62: {  	s21 =	sadd.s32 $0x2000, s21;
	s18 =	sadd.s32 $0x2000, s18;
	[sflag:s30] =	ssyncset.done $0x0  }
0x63: {  	s5 =	sadd.s32 $0x700, s5;
	s4 =	sadd.s32 $0x2000, s4;
	[sflag:s30] =	ssyncadd.s32 $0xFFFFC000  }
0x64: {  	[tilespmem:s22], [sflag:$0x4] =	stream.indirect.gather [hbm4b:s3+s15], $0x40, s5, s15, $0xb8;
	[tilespmem:$0x16400] =	vst v63  }
0x65: {  	_ =	swait.ge [sflag:s23], $0x4000  }
0x66: {  	[sflag:s23] =	ssyncset.done $0x0  }
0x67: {  	s0 =	rddreg [dreg:$0x6];
	[sflag:s23] =	ssyncadd.s32 $0xFFFFC000  }
0x68: {  	[hbm4b:s0+s2] =	stream.linear.scatter [tilespmem:s17], [sflag:$0x6], $0x4000, $0x38;
	[tilespmem:$0x16400] =	vst v63  }
0x69: {  	_ =	swait.ge [sflag:s25], $0x4000  }
0x6a: {  	[sflag:s25] =	ssyncset.done $0x0  }
0x6b: {  	[sflag:s25] =	ssyncadd.s32 $0xFFFFC000  }
0x6c: {  	[hbm4b:s7+s2] =	stream.linear.scatter [tilespmem:s19], [sflag:$0x7], $0x4000, $0x38;
	[tilespmem:$0x16400] =	vst v63  }
0x6d: {  	_ =	swait.ge [sflag:s28], $0x4000  }
0x6e: {  	[sflag:s28] =	ssyncset.done $0x0  }
0x6f: {  	[sflag:s28] =	ssyncadd.s32 $0xFFFFC000  }
0x70: {  	[hbm4b:s8+s2] =	stream.linear.scatter [tilespmem:s22], [sflag:$0x8], $0x4000, $0x38;
	[tilespmem:$0x16400] =	vst v63  }
0x71: {  	_ =	swait.ge [sflag:s24], $0x4000  }
0x72: {  	[sflag:s24] =	ssyncset.done $0x0  }
0x73: {  	[sflag:s24] =	ssyncadd.s32 $0xFFFFC000  }
0x74: {  	_ =	swait.ge [sflag:s26], $0x4000  }
0x75: {  	[sflag:s26] =	ssyncset.done $0x0  }
0x76: {  	s31 =	sadd.s32 $0x1, s31;
	[sflag:s26] =	ssyncadd.s32 $0xFFFFC000  }
0x77: {  	p0 =	sne.s32 s31, s9;
	_ =	swait.ge [sflag:s29], $0x4000  }
.Ltmp1:
0x78: {  	[sflag:s29] =	ssyncset.done $0x0;
	(pc) =	sbr.rel @p0 .LBB2_1-.Ltmp1, $4  }
0x79: {  	[sflag:s29] =	ssyncadd.s32 $0xFFFFC000  }
0x7a: {  	_ =	swait.ge [sflag:s30], $0x4000  }
0x7b: {  	[sflag:s30] =	ssyncset.done $0x0  }
0x7c: {  	[sflag:s30] =	ssyncadd.s32 $0xFFFFC000  }
0x7d: {  	_ =	sfence.sel $0x180000  }
0x7e: {  	[bflag:$0x0] =	sbarrier.arrive $0xFFFF  }
0x7f: {  	_ =	strace $0x90000047  }
0x80: {  	s0 =	stileid.u32;
	[bflag:$0x2] =	sbarrier.arrive $0xFFFF  }
0x81: {  	p0 =	sne.s32 s0, $0x0;
	s0 =	rddreg [dreg:$0x3]  }
0x82: {  	s0 =	sadd.s32 @!p0 $0x100000, s0  }
0x83: {  	[sflag:s0] =	ssyncadd.tile.s32 @!p0 $0x1;
	_ =	shalt  }
.Lfunc_end2:
_tile_overlayer_lowered:
.L_overlay_start_2:
0x84: {  	(tag) =	ssettag $0x2  }
0x85: {  	s0 =	rddreg [dreg:$0x0];
	s2 =	stileid.u32  }
0x86: {  	s1 =	rddreg [dreg:$0x1];
	p0 =	sne.s32 s2, $0x0  }
0x87: {  	s3 =	rddreg [dreg:$0x2];
	[bflag:$0x3] =	sbarrier.arrive $0xFFFF;
	s2 =	simm.s32 @!p0 $0x1C09  }
0x88: {  	[timem:s3], [sflag:s2] =	dma.local @!p0 [hbm:s0], s1  }
0x89: {  	s0 =	simm.s32 @!p0 $0x9  }
0x8a: {  	_ =	swait.ge @!p0 [sflag:s0], s1  }
0x8b: {  	s1 =	ssub.s32 @!p0 $0x0, s1;
	[sflag:s0] =	ssyncset.done @!p0 $0x0  }
0x8c: {  	[sflag:s0] =	ssyncadd.s32 @!p0 s1  }
0x8d: {  	[bflag:$0x3] =	sbarrier.arrive $0xFFFF  }
0x8e: {  	_ =	shalt  }

// kernel: sparse-core-data-format-call.cloned.1.call-start
scs
called_computation_lowered:
.L_overlay_start_0:
0x0: {  	s2 =	sld [smem:$0x3FD9]  }
0x1: {  	s3 =	sld [smem:$0x3FFE];
	_ =	sdelay $0x1  }
0x2: {  	s1 =	srdreg.scid  }
0x3: {  	s0 =	sand.u32 $0x1, s1  }
0x4: {  	s18 =	sshll.u32 s0, $0xA;
	s2 =	sadd.s32 s3, s2  }
0x5: {  	s2 =	sadd.s32 s2, s18  }
0x6: {  	[smem:$0x3FC6] =	sst s2  }
0x7: {  	_ = 	snop  }
0x8: {  	s2 =	sld [smem:$0x3FD0];
	(tm) =	ssettm $0x1  }
0x9: {  	s19 =	sld [smem:$0x3FFB];
	_ =	sdelay $0x3  }
0xa: {  	_ =	strace s19  }
0xb: {  	s3 =	sld [smem:$0x3FFC];
	_ =	sdelay $0x3  }
0xc: {  	_ =	strace s3  }
0xd: {  	s3 =	sld [smem:$0x3FFD];
	_ =	sdelay $0x3  }
0xe: {  	_ =	strace s3  }
0xf: {  	_ =	strace $0x8FFFFFFF  }
0x10: {  	s20 =	sld [smem:$0x3FDB];
	_ =	sdelay $0x1  }
0x11: {  	s4 =	simm.s32 $_scs_section_size  }
0x12: {  	s5 =	simm.s32 $_size__tile_overlayer_lowered;
	s6 =	simm.s32 $_tile_overlayer_lowered  }
0x13: {  	s23 =	simm.s32 $0x1BFF;
	s22 =	sshll.u32 s6, $0x1;
	s3 =	sadd.s32 s4, s20  }
0x14: {  	s7 =	simm.s32 $0x0;
	s21 =	sshll.u32 s5, $0x1;
	s5 =	sadd.s32 s22, s3  }
0x15: {  	[timem:s7], [sflag:s23] =	dma.local [hbm:s5], s21  }
0x16: {  	_ =	swait.ge [sflag:s23], s21  }
0x17: {  	s4 =	ssub.s32 $0x0, s21;
	[sflag:s23] =	ssyncset.done $0x0  }
0x18: {  	[sflag:s23] =	ssyncadd.s32 s4;
	_ =	sdelay $0x1  }
0x19: {  	s24 =	simm.s32 $0x1B8B  }
0x1a: {  	_ =	swait.ge [sflag:s24], $0x1  }
0x1b: {  	[sflag:s24] =	ssyncset.done $0x0  }
0x1c: {  	s26 =	simm.s32 $0x1B8E;
	s25 =	sld [smem:$0x3FFE];
	[sflag:s24] =	ssyncadd.s32 $0xFFFFFFFF  }
0x1d: {  	s27 =	simm.s32 $execute0_lowered;
	[smem:$0x3FD2] =	sst s26  }
0x1e: {  	s5 =	sshll.u32 s27, $0x1;
	_ =	strace $0x80000049;
	[dreg:$0x1] =	wrdreg $0xFFFFFFFF  }
0x1f: {  	s28 =	simm.s32 $_size_execute0_lowered;
	s3 =	sadd.s32 s3, s5;
	[dreg:$0x0] =	wrdreg $0x0  }
0x20: {  	s5 =	sshll.u32 s28, $0x1;
	[dreg:$0x2] =	wrdreg s3  }
0x21: {  	[dreg:$0x3] =	wrdreg s5  }
0x22: {  	[dreg:$0x4] =	wrdreg $0xC0  }
0x23: {  	_ =	task [dreg:s7], $0x5FFFF  }
0x24: {  	[dreg:$0x1] =	wrdreg $0xFFFFFFFF  }
0x25: {  	[dreg:$0x0] =	wrdreg $0x60  }
0x26: {  	[dreg:$0x2] =	wrdreg s25  }
0x27: {  	[dreg:$0x3] =	wrdreg s2  }
0x28: {  	[dreg:$0x4] =	wrdreg $0x9  }
0x29: {  	_ =	task.clear_ibuf [dreg:s7], $0x5FFFF;
	_ =	strace $0x90000049  }
0x2a: {  	s29 =	simm.s32 $0x9;
	_ =	strace $0x8000004B  }
0x2b: {  	_ =	swait.ge [sflag:s29], $0x1  }
0x2c: {  	[sflag:s29] =	ssyncadd.s32 $0xFFFFFFFF  }
0x2d: {  	_ =	strace $0x9000004B  }
0x2e: {  	_ =	sfence  }
0x2f: {  	s30 =	sld [smem:$0x0];
	_ =	sdelay $0x2  }
0x30: {  	s31 =	sshll.u32 s1, $0xD;
	s1 =	sshrl.u32 s1, $0x2  }
0x31: {  	s3 =	sand.u32 $0x4000, s31;
	s1 =	sadd.s32 s1, s30  }
0x32: {  	s0 =	sor.u32 s3, s0;
	s1 =	sshll.u32 s1, $0x11  }
0x33: {  	s0 =	sor.u32 s1, s0  }
0x34: {  	s0 =	sadd.s32 $0x8F2B, s0  }
0x35: {  	[sflag:s0] =	ssyncadd.remote.s32 $0x1  }
0x36: {  	_ =	sfence.sel $0xFFFF  }
0x37: {  	[dreg:$0x0] =	wrdreg $0xFFFFFFFF;
	(pc) =	sbr.abs _section_cstart, $3  }
0x38: {  	[dreg:$0x1] =	wrdreg $0xFFFFFFFF  }
0x39: {  	_ =	task.clear_ibuf [dreg:s7], $0x2FFFF;
	_ =	strace $0x9FFFFFFF  }
0x3a: {  	(tm) =	ssettm $0x7FFFFFFF  }
0x3b: {  	_ =	shalt  }
tec
execute0_lowered:
.L_overlay_start_1:
0x0: {  	(tag) =	ssettag $0x1  }
0x1: {  	s0 =	srdreg.scid  }
0x2: {  	s1 =	sshll.u32 s0, $0x4  }
0x3: {  	s4 =	rddreg [dreg:$0x0];
	s0 =	stileid.u32;
	s1 =	sand.u32 $0x10, s1  }
0x4: {  	s2 =	rddreg [dreg:$0x1];
	s7 =	simm.s32 $0x1;
	s1 =	sor.u32 s0, s1  }
0x5: {  	s8 =	simm.s32 $0x2;
	s11 =	simm.s32 $0x0;
	s3 =	sshll.u32 s1, $0x7  }
0x6: {  	s10 =	simm.s32 $0x0;
	s4 =	sadd.s32 $0x800, s4;
	s6 =	ssub.s32 $0xC8000, s3  }
.Ltmp0:
0x7: {  	s1 =	rddreg [dreg:$0x2];
	s5 =	sand.u32 $0xF80, s6;
	(pc) =	sbr.rel .LBB1_1-.Ltmp0, $4  }
0x8: {  	_ =	strace $0x8000004A;
	s9 =	smov.u32 s3;
	p0 =	sne.s32 s5, $0x0  }
0x9: {  	s6 =	sshrl.u32 s6, $0xC;
	s5 =	simm.s32 $0x1;
	s7 =	simm.s32 @!p0 $0x0  }
0xa: {  	[sflag:s5] =	ssyncpa.u1 $0x0;
	p0 =	por $0x0, $0x0;
	s6 =	sadd.s32 s7, s6  }
0xb: {  	[sflag:s8] =	ssyncpa.u1 $0x0;
	s8 =	simm.s32 $0x640000;
	s7 =	sadd.s32 $0x1, s6  }
.LBB1_4:
0xc: {  	s14 =	sshll.u32 s11, $0x3  }
0xd: {  	s30 =	sand.u32 $0x7F, s11;
	s15 =	sand.u32 $0xFFFFFC00, s14  }
0xe: {  	s11 =	sor.u32 s30, s15  }
0xf: {  	s15 =	smulhi.u32 $0x51EB851F, s11  }
0x10: {  	s14 =	smulhi.u32 $0x51EB851F, s14  }
0x11: {  	s15 =	sshrl.u32 s15, $0x12  }
0x12: {  	s14 =	sshrl.u32 s14, $0x12;
	s15 =	smul.u32 $0xC8000, s15  }
0x13: {  	s14 =	sand.u32 $0x3F, s14  }
0x14: {  	s14 =	smul.u32 $0x19000, s14;
	s11 =	ssub.s32 s11, s15  }
0x15: {  	[tilespmem:s13+$0x810 ss:$0x81] =	vst.msk $0xffff, v2;
	s15 =	sand.u32 $0x7, s11  }
0x16: {  	[tilespmem:s13+$0x1020 ss:$0x81] =	vst.msk $0xffff, v0;
	s14 =	sadd.s32 s2, s14;
	s11 =	sshrl.u32 s11, $0x3;
	s15 =	sshll.u32 s15, $0x12  }
0x17: {  	[tilespmem:s13+$0x0 ss:$0x81] =	vst.msk $0xffff, v1;
	s11 =	sadd.s32 s11, s14;
	s31 =	sor.u32 $0x400, s15  }
0x18: {  	[hbm4b:s11+s31] =	stream.strided.scatter [tilespmem:s12], [sflag:$0x2], $0x2000, s8, s31, $0x20;
	[tilespmem:$0x8080] =	vst v63  }
.LBB1_5:
0x19: {  	s13 =	sadd.s32 $0x1000, s9  }
0x1a: {  	p2 =	sgt.s32 s13, $0xC7FFF  }
0x1b: {  	s13 =	smov.u32 @p2 s3;
	p2 =	sne.s32 s10, s7  }
.Ltmp1:
0x1c: {  	p1 =	slt.u32 s10, $0x2;
	(pc) =	sbr.rel @!p2 .LBB1_6-.Ltmp1, $4  }
0x1d: {  	s12 =	simm.s32 @!p1 $0x2  }
0x1e: {  	s14 =	sadd.s32 $0x1, s10;
	_ =	swait.ge @!p1 [sflag:s12], $0x2000  }
0x1f: {  	s11 =	smov.u32 s9;
	p0 =	por !p0, !p0;
	[sflag:s12] =	ssyncset.done @!p1 $0x0  }
0x20: {  	s10 =	smov.u32 s14;
	s9 =	smov.u32 s13;
	[sflag:s12] =	ssyncadd.s32 @!p1 $0xFFFFE000  }
.LBB1_1:
0x21: {  	p1 =	sge.u32 s10, s6  }
0x22: {  	s12 =	sand.u32 @!p1 $0x1FFFFFF, s9  }
0x23: {  	s13 =	smulhi.u32 @!p1 $0x147AE15, s12;
	_ =	sdelay $0x1  }
0x24: {  	s13 =	sshrl.u32 @!p1 s13, $0xC  }
0x25: {  	s13 =	smul.u32 @!p1 $0xC8000, s13;
	_ =	sdelay $0x1  }
0x26: {  	s31 =	sadd.s32 $0xFFFFFFFF, s10;
	s14 =	sxor.u32 @!p1 $0xFFFFFFFF, s10;
	s12 =	ssub.s32 @!p1 s12, s13  }
0x27: {  	s15 =	simm.s32 @!p1 $0x80;
	s14 =	sshll.u32 @!p1 s14, $0xD;
	s12 =	sshll.u32 @!p1 s12, $0x4  }
0x28: {  	s13 =	sand.u32 @!p1 $0x2000, s14;
	s14 =	simm.s32 @!p1 $0x40;
	s12 =	sadd.s32 @!p1 s4, s12  }
0x29: {  	[tilespmem:s13], [sflag:$0x1] =	stream.strided.gather @!p1 [hbm4b:s12+s14], $0x2000, s15, s14, $0x38;
	[tilespmem:$0x8080] =	vst v63  }
0x2a: {  	p1 =	sge.u32 s31, s6  }
.Ltmp2:
0x2b: {  	_ = 	snop;
	(pc) =	sbr.rel @p1 .LBB1_5-.Ltmp2, $1  }
0x2c: {  	_ =	sdelay $0x3  }
0x2d: {  	s12 =	simm.s32 $0x1  }
0x2e: {  	_ =	swait.ge [sflag:s5], $0x2000;
	s12 =	simm.s32 @!p0 $0x0  }
0x2f: {  	[sflag:s5] =	ssyncset.done $0x0;
	s13 =	sshll.u32 s12, $0xD  }
0x30: {  	[sflag:s5] =	ssyncadd.s32 $0xFFFFE000;
	s16 =	sor.u32 $0x20, s13  }
0x31: {  	s12 =	smul.u32 $0x8100, s12;
	v3 =	vld [tilespmem:s16+$0x10]  }
0x32: {  	s30 =	sand.u32 $0x1, s10;
	v2 =	vld [tilespmem:s16+$0xFFFFFFF0]  }
0x33: {  	s13 =	smul.u32 $0x8100, s30;
	s12 =	sshrl.u32 s12, $0x2;
	v0 =	vld [tilespmem:s16+$0x0]  }
0x34: {  	v1 =	vld [tilespmem:s16+$0xFFFFFFE0];
	s14 =	sor.u32 $0x4000, s12  }
0x35: {  	s31 =	sshrl.u32 s13, $0x2;
	s13 =	sadd.s32 $0x0, s14  }
0x36: {  	s15 =	simm.s32 $0x4;
	s16 =	sadd.s32 $0x40, s16;
	s12 =	sor.u32 $0x4000, s31;
	[tilespmem:s13+$0x1830 ss:$0x81] =	vst.msk $0xffff, v3  }
.LBB1_3:
0x37: {  	v3 =	vld [tilespmem:s16+$0x10];
	p1 =	sne.s32 s15, $0x1FC;
	[tilespmem:s13+$0x810 ss:$0x81] =	vst.msk $0xffff, v2;
	s17 =	smov.u32 s15;
	s15 =	sadd.s32 $0x4, s15  }
.Ltmp3:
0x38: {  	v2 =	vld [tilespmem:s16+$0xFFFFFFF0];
	[tilespmem:s13+$0x1020 ss:$0x81] =	vst.msk $0xffff, v0;
	(pc) =	sbr.rel @p1 .LBB1_3-.Ltmp3, $4  }
0x39: {  	v0 =	vld [tilespmem:s16+$0x0];
	[tilespmem:s13+$0x0 ss:$0x81] =	vst.msk $0xffff, v1  }
0x3a: {  	s13 =	sshra.s32 s17, $0x2;
	v1 =	vld [tilespmem:s16+$0xFFFFFFE0]  }
0x3b: {  	s13 =	sadd.s32 s13, s14  }
0x3c: {  	s16 =	sadd.s32 $0x40, s16;
	[tilespmem:s13+$0x1830 ss:$0x81] =	vst.msk $0xffff, v3  }
.Ltmp4:
0x3d: {  	_ = 	snop;
	(pc) =	sbr.rel .LBB1_4-.Ltmp4, $1  }
0x3e: {  	_ =	sdelay $0x3  }
.LBB1_6:
0x3f: {  	_ =	sfence.sel $0x180000  }
0x40: {  	s2 =	simm.s32 $0x1;
	[bflag:$0x0] =	sbarrier.arrive $0xFFFF  }
0x41: {  	s31 =	simm.s32 $0x2;
	[sflag:s2] =	ssyncpa.u1 $0x1  }
0x42: {  	[sflag:s31] =	ssyncpa.u1 $0x1  }
0x43: {  	p0 =	sne.s32 s0, $0x0;
	_ =	strace $0x9000004A  }
0x44: {  	s0 =	sadd.s32 @!p0 $0x100000, s1;
	[bflag:$0x2] =	sbarrier.arrive $0xFFFF  }
0x45: {  	[sflag:s0] =	ssyncadd.tile.s32 @!p0 $0x1;
	_ =	shalt  }
.Lfunc_end1:
_tile_overlayer_lowered:
.L_overlay_start_2:
0x46: {  	(tag) =	ssettag $0x2  }
0x47: {  	s0 =	rddreg [dreg:$0x0];
	s2 =	stileid.u32  }
0x48: {  	s1 =	rddreg [dreg:$0x1];
	p0 =	sne.s32 s2, $0x0  }
0x49: {  	s3 =	rddreg [dreg:$0x2];
	[bflag:$0x3] =	sbarrier.arrive $0xFFFF;
	s2 =	simm.s32 @!p0 $0x1C01  }
0x4a: {  	[timem:s3], [sflag:s2] =	dma.local @!p0 [hbm:s0], s1  }
0x4b: {  	s0 =	simm.s32 @!p0 $0x1  }
0x4c: {  	_ =	swait.ge @!p0 [sflag:s0], s1  }
0x4d: {  	s1 =	ssub.s32 @!p0 $0x0, s1;
	[sflag:s0] =	ssyncset.done @!p0 $0x0  }
0x4e: {  	[sflag:s0] =	ssyncadd.s32 @!p0 s1  }
0x4f: {  	[bflag:$0x3] =	sbarrier.arrive $0xFFFF  }
0x50: {  	_ =	shalt  }

</sc_bundles>
